<compile_context>
chip_gen: v7x
topology: tpu7x:2x2x1
jax: 0.10.2.dev20260603
libtpu: 0.0.44.dev20260713+nightly
codegen_flags: <defaults>
</compile_context>

<pallas_src>
import functools

import jax
import jax.numpy as jnp
from jax import lax
from jax.experimental import pallas as pl
from jax.experimental.pallas import tpu as pltpu
from jax.experimental.pallas import tpu_sc as plsc

N = 10000
E = 320000
C = 128
CD = 16
NUM_CORES = 2
NUM_SUBCORES = 16
NW = NUM_CORES * NUM_SUBCORES
EW = E // NW
K = 80
NBF = EW // K
RPT = 632
N_ACC = RPT * NUM_SUBCORES


def _sc_aggregate(node_feats, edge_hbm, zeros_f, zeros_d, ones_kd):
  mesh = plsc.VectorSubcoreMesh(core_axis_name="c", subcore_axis_name="s")

  @functools.partial(
      pl.kernel,
      out_type=(jax.ShapeDtypeStruct((NUM_CORES, N_ACC, C), jnp.float32),
                jax.ShapeDtypeStruct((NUM_CORES, N_ACC, CD), jnp.float32)),
      mesh=mesh,
      compiler_params=pltpu.CompilerParams(use_tc_tiling_on_sc=False),
      scratch_types=[
          pltpu.VMEM((6, K), jnp.int32),
          pltpu.VMEM((6, K), jnp.int32),
          pltpu.VMEM((3, K, C), jnp.float32),
          pltpu.VMEM((K, CD), jnp.float32),
          pltpu.VMEM_SHARED((N_ACC, C), jnp.float32),
          pltpu.VMEM_SHARED((N_ACC, CD), jnp.float32),
          pltpu.SemaphoreType.DMA,
          pltpu.SemaphoreType.DMA,
          pltpu.SemaphoreType.DMA,
          pltpu.SemaphoreType.DMA,
      ],
  )
  def body(x_hbm, e_hbm, zf_hbm, zd_hbm, ones_hbm, agg_hbm, deg_hbm,
           row_v, col_v, gbuf, ones_v,
           acc_f, acc_d, sem_i, sem_g, sem_s, sem_d):
    cid = lax.axis_index("c")
    sid = lax.axis_index("s")
    wid = cid * NUM_SUBCORES + sid
    base = pl.multiple_of(wid * EW, 8)

    def eoff(jj):
      return pl.multiple_of(base + jj * K, 8)

    rows = pl.ds(sid * RPT, RPT)
    pltpu.sync_copy(zf_hbm.at[rows], acc_f.at[rows])
    pltpu.sync_copy(zd_hbm.at[rows], acc_d.at[rows])
    pltpu.sync_copy(ones_hbm, ones_v)
    for jj in range(3):
      pltpu.async_copy(e_hbm.at[0, pl.ds(eoff(jj), K)], row_v.at[jj], sem_i)
      pltpu.async_copy(e_hbm.at[1, pl.ds(eoff(jj), K)], col_v.at[jj], sem_i)
    plsc.subcore_barrier()
    for jj in range(2):
      pltpu.make_async_copy(e_hbm.at[0, pl.ds(eoff(jj), K)], row_v.at[jj],
                            sem_i).wait()
      pltpu.make_async_copy(e_hbm.at[1, pl.ds(eoff(jj), K)], col_v.at[jj],
                            sem_i).wait()
      pltpu.async_copy(x_hbm.at[col_v.at[jj]], gbuf.at[jj], sem_g)

    def step(j, _):
      s3 = lax.rem(j, 3)

      @pl.when(j >= 1)
      def _():
        p6 = lax.rem(j + 5, 6)
        pltpu.make_async_copy(gbuf.at[lax.rem(j + 2, 3)],
                              acc_f.at[row_v.at[p6]], sem_s).wait()
        pltpu.make_async_copy(ones_v, acc_d.at[row_v.at[p6]], sem_d).wait()

      @pl.when(j + 2 < NBF)
      def _():
        n6 = lax.rem(j + 2, 6)
        pltpu.make_async_copy(e_hbm.at[0, pl.ds(eoff(j + 2), K)],
                              row_v.at[n6], sem_i).wait()
        pltpu.make_async_copy(e_hbm.at[1, pl.ds(eoff(j + 2), K)],
                              col_v.at[n6], sem_i).wait()
        pltpu.async_copy(x_hbm.at[col_v.at[n6]], gbuf.at[lax.rem(j + 2, 3)],
                         sem_g)

      @pl.when(j + 3 < NBF)
      def _():
        n6 = lax.rem(j + 3, 6)
        pltpu.async_copy(e_hbm.at[0, pl.ds(eoff(j + 3), K)],
                         row_v.at[n6], sem_i)
        pltpu.async_copy(e_hbm.at[1, pl.ds(eoff(j + 3), K)],
                         col_v.at[n6], sem_i)

      j6 = lax.rem(j, 6)
      pltpu.make_async_copy(x_hbm.at[col_v.at[j6]], gbuf.at[s3],
                            sem_g).wait()
      pltpu.async_copy(gbuf.at[s3], acc_f.at[row_v.at[j6]], sem_s,
                       add=True)
      pltpu.async_copy(ones_v, acc_d.at[row_v.at[j6]], sem_d, add=True)
      return 0

    lax.fori_loop(0, NBF, step, 0)
    lp6 = (NBF - 1) % 6
    pltpu.make_async_copy(gbuf.at[(NBF - 1) % 3], acc_f.at[row_v.at[lp6]],
                          sem_s).wait()
    pltpu.make_async_copy(ones_v, acc_d.at[row_v.at[lp6]], sem_d).wait()
    plsc.subcore_barrier()

    pltpu.sync_copy(acc_f.at[rows], agg_hbm.at[cid, rows])
    pltpu.sync_copy(acc_d.at[rows], deg_hbm.at[cid, rows])

  return body(node_feats, edge_hbm, zeros_f, zeros_d, ones_kd)


def _combine(agg, deg, w_t, b_row):
  BM = 1000

  def body(a0, a1, d0, d1, wt, bb, o):
    s = a0[0] + a1[0]
    d = d0[0, :, 0:1] + d1[0, :, 0:1]
    o[...] = jnp.dot(s / d, wt[...],
                     preferred_element_type=jnp.float32) + bb[...]

  return pl.pallas_call(
      body,
      grid=(N // BM,),
      in_specs=[
          pl.BlockSpec((1, BM, C), lambda i: (0, i, 0)),
          pl.BlockSpec((1, BM, C), lambda i: (1, i, 0)),
          pl.BlockSpec((1, BM, CD), lambda i: (0, i, 0)),
          pl.BlockSpec((1, BM, CD), lambda i: (1, i, 0)),
          pl.BlockSpec((C, C), lambda i: (0, 0)),
          pl.BlockSpec((1, C), lambda i: (0, 0)),
      ],
      out_specs=pl.BlockSpec((BM, C), lambda i: (i, 0)),
      out_shape=jax.ShapeDtypeStruct((N, C), jnp.float32),
  )(agg, agg, deg, deg, w_t, b_row)


def kernel(node_feats, edge_index, W, b):
  zeros_f = jnp.zeros((N_ACC, C), jnp.float32)
  zeros_d = jnp.zeros((N_ACC, CD), jnp.float32)
  ones_kd = jnp.ones((K, CD), jnp.float32)
  agg, deg = _sc_aggregate(node_feats, edge_index, zeros_f, zeros_d, ones_kd)
  return _combine(agg, deg, W.T, b.reshape(1, C))

# --- scband reference (transcript-rebuilt; emitter-appended) ---
"""Pipeline reference for scband-sparse-gcnlayer-30777735643318 (READ-ONLY COPY).

The authoritative reference and input builder live on the scoring server;
editing this copy changes nothing except your own understanding.
"""

import jax, jax.numpy as jnp
import numpy as np

N = 10000
E = 320000
C_IN = 128
C_OUT = 128


def setup_inputs(seed: int = 0) -> dict:
    key = jax.random.key(seed)
    k1, k2, k3, k4 = jax.random.split(key, 4)
    node_feats = jax.random.normal(k1, (N, C_IN), dtype=jnp.float32)
    # edge_index[0] = row (destination/output node), edge_index[1] = col (source/neighbor node)
    edge_index = jax.random.randint(k2, (2, E), 0, N, dtype=jnp.int32)
    # nn.Linear(c_in, c_out) parameters: W [c_out, c_in], b [c_out]
    bound = 1.0 / np.sqrt(C_IN)
    W = jax.random.uniform(k3, (C_OUT, C_IN), dtype=jnp.float32, minval=-bound, maxval=bound)
    b = jax.random.uniform(k4, (C_OUT,), dtype=jnp.float32, minval=-bound, maxval=bound)
    return {"node_feats": node_feats, "edge_index": edge_index, "W": W, "b": b}


def reference(node_feats, edge_index, W, b):
    # Faithful translation of SparseGCNLayer.forward with adj represented as COO edges
    # adj_matrix[row, col] = 1.0 for each edge.
    row = edge_index[0]
    col = edge_index[1]
    # num_neighbours = torch.sparse.sum(adj_matrix, dim=-1)  (row sums of adjacency)
    num_neighbours = jax.ops.segment_sum(
        jnp.ones((E,), dtype=jnp.float32), row, num_segments=N
    )[:, None]
    # node_feats = self.projection(node_feats)
    h = node_feats @ W.T + b
    # node_feats = torch.mm(adj_matrix, node_feats): out[i] = sum_{j in N(i)} h[j]
    agg = jax.ops.segment_sum(h[col], row, num_segments=N)
    # node_feats = node_feats / num_neighbours
    return agg / num_neighbours

if __name__ == "__main__":
    import jax
    _d = setup_inputs()
    print(jax.jit(kernel)(*tuple(_d.values())))

</pallas_src>

<mosaic_0001>
#map = affine_map<(d0, d1) -> (0, 0)>
#map1 = affine_map<(d0, d1) -> (0, 0, 0)>
module attributes {stable_mosaic.version = 14 : i64} {
  func.func @body(%arg0: i32, %arg1: i32, %arg2: memref<10000x128xf32, #tpu.memory_space<hbm>>, %arg3: memref<2x320000xi32, #tpu.memory_space<hbm>>, %arg4: memref<10112x128xf32, #tpu.memory_space<hbm>>, %arg5: memref<10112x16xf32, #tpu.memory_space<hbm>>, %arg6: memref<80x16xf32, #tpu.memory_space<hbm>>, %arg7: memref<2x10112x128xf32, #tpu.memory_space<hbm>>, %arg8: memref<2x10112x16xf32, #tpu.memory_space<hbm>>, %arg9: memref<6x80xi32, #tpu.memory_space<vmem>>, %arg10: memref<6x80xi32, #tpu.memory_space<vmem>>, %arg11: memref<3x80x128xf32, #tpu.memory_space<vmem>>, %arg12: memref<80x16xf32, #tpu.memory_space<vmem>>, %arg13: memref<10112x128xf32, #tpu.memory_space<vmem_shared>>, %arg14: memref<10112x16xf32, #tpu.memory_space<vmem_shared>>, %arg15: memref<!tpu.dma_semaphore, #tpu.memory_space<semaphore_mem>>, %arg16: memref<!tpu.dma_semaphore, #tpu.memory_space<semaphore_mem>>, %arg17: memref<!tpu.dma_semaphore, #tpu.memory_space<semaphore_mem>>, %arg18: memref<!tpu.dma_semaphore, #tpu.memory_space<semaphore_mem>>) attributes {dimension_semantics = [#tpu.dimension_semantics<core_parallel>, #tpu.dimension_semantics<subcore_parallel>], iteration_bounds = array<i64: 2, 16>, scalar_prefetch = 0 : i64, scratch_operands = 10 : i64, tpu.core_type = #tpu.core_type<sc_vector_subcore>, window_params = [{transform_indices = #map}, {transform_indices = #map}, {transform_indices = #map}, {transform_indices = #map}, {transform_indices = #map}, {transform_indices = #map1}, {transform_indices = #map1}]} {
    %mul3A = arith.constant 16 : i32
    %mul3A_0 = arith.muli %arg0, %mul3A : i32
    %add3A = arith.addi %mul3A_0, %arg1 : i32
    %mul3A_1 = arith.constant 10000 : i32
    %mul3A_2 = arith.muli %add3A, %mul3A_1 : i32
    %multiple_of3A = tpu.assume_multiple %mul3A_2, 8 : i32
    %mul3A_3 = arith.constant 632 : i32
    %mul3A_4 = arith.muli %arg1, %mul3A_3 : i32
    "tpu.region"() ({
      %run_scoped3A = tpu.sem_alloc : memref<!tpu.dma_semaphore, #tpu.memory_space<semaphore_mem>>
      %dma_start3A_203 = arith.constant 0 : i32
      %dma_start3A_204 = tpu.memref_slice %arg13[%mul3A_4, %dma_start3A_203] : memref<10112x128xf32, #tpu.memory_space<vmem_shared>> -> memref<632x128xf32, #tpu.memory_space<vmem_shared>>
      %dma_start3A_205 = arith.constant 0 : i32
      %dma_start3A_206 = tpu.memref_slice %arg4[%mul3A_4, %dma_start3A_205] : memref<10112x128xf32, #tpu.memory_space<hbm>> -> memref<632x128xf32, #tpu.memory_space<hbm>>
      tpu.enqueue_dma source(%dma_start3A_206 : memref<632x128xf32, #tpu.memory_space<hbm>>) target(%dma_start3A_204 : memref<632x128xf32, #tpu.memory_space<vmem_shared>>) target_semaphore(%run_scoped3A : memref<!tpu.dma_semaphore, #tpu.memory_space<semaphore_mem>>)
      %dma_wait3A_207 = arith.constant 0 : i32
      %dma_wait3A_208 = tpu.memref_slice %arg13[%mul3A_4, %dma_wait3A_207] : memref<10112x128xf32, #tpu.memory_space<vmem_shared>> -> memref<632x128xf32, #tpu.memory_space<vmem_shared>>
      %dma_wait3A_209 = arith.constant 0 : i32
      %dma_wait3A_210 = tpu.memref_slice %arg4[%mul3A_4, %dma_wait3A_209] : memref<10112x128xf32, #tpu.memory_space<hbm>> -> memref<632x128xf32, #tpu.memory_space<hbm>>
      tpu.wait_dma2 semaphore(%run_scoped3A : memref<!tpu.dma_semaphore, #tpu.memory_space<semaphore_mem>>) src(%dma_wait3A_210 : memref<632x128xf32, #tpu.memory_space<hbm>>) dst(%dma_wait3A_208 : memref<632x128xf32, #tpu.memory_space<vmem_shared>>)
      tpu.yield
    }) : () -> ()
    "tpu.region"() ({
      %run_scoped3A = tpu.sem_alloc : memref<!tpu.dma_semaphore, #tpu.memory_space<semaphore_mem>>
      %dma_start3A_203 = arith.constant 0 : i32
      %dma_start3A_204 = tpu.memref_slice %arg14[%mul3A_4, %dma_start3A_203] : memref<10112x16xf32, #tpu.memory_space<vmem_shared>> -> memref<632x16xf32, #tpu.memory_space<vmem_shared>>
      %dma_start3A_205 = arith.constant 0 : i32
      %dma_start3A_206 = tpu.memref_slice %arg5[%mul3A_4, %dma_start3A_205] : memref<10112x16xf32, #tpu.memory_space<hbm>> -> memref<632x16xf32, #tpu.memory_space<hbm>>
      tpu.enqueue_dma source(%dma_start3A_206 : memref<632x16xf32, #tpu.memory_space<hbm>>) target(%dma_start3A_204 : memref<632x16xf32, #tpu.memory_space<vmem_shared>>) target_semaphore(%run_scoped3A : memref<!tpu.dma_semaphore, #tpu.memory_space<semaphore_mem>>)
      %dma_wait3A_207 = arith.constant 0 : i32
      %dma_wait3A_208 = tpu.memref_slice %arg14[%mul3A_4, %dma_wait3A_207] : memref<10112x16xf32, #tpu.memory_space<vmem_shared>> -> memref<632x16xf32, #tpu.memory_space<vmem_shared>>
      %dma_wait3A_209 = arith.constant 0 : i32
      %dma_wait3A_210 = tpu.memref_slice %arg5[%mul3A_4, %dma_wait3A_209] : memref<10112x16xf32, #tpu.memory_space<hbm>> -> memref<632x16xf32, #tpu.memory_space<hbm>>
      tpu.wait_dma2 semaphore(%run_scoped3A : memref<!tpu.dma_semaphore, #tpu.memory_space<semaphore_mem>>) src(%dma_wait3A_210 : memref<632x16xf32, #tpu.memory_space<hbm>>) dst(%dma_wait3A_208 : memref<632x16xf32, #tpu.memory_space<vmem_shared>>)
      tpu.yield
    }) : () -> ()
    "tpu.region"() ({
      %run_scoped3A = tpu.sem_alloc : memref<!tpu.dma_semaphore, #tpu.memory_space<semaphore_mem>>
      tpu.enqueue_dma source(%arg6 : memref<80x16xf32, #tpu.memory_space<hbm>>) target(%arg12 : memref<80x16xf32, #tpu.memory_space<vmem>>) target_semaphore(%run_scoped3A : memref<!tpu.dma_semaphore, #tpu.memory_space<semaphore_mem>>)
      tpu.wait_dma2 semaphore(%run_scoped3A : memref<!tpu.dma_semaphore, #tpu.memory_space<semaphore_mem>>) src(%arg6 : memref<80x16xf32, #tpu.memory_space<hbm>>) dst(%arg12 : memref<80x16xf32, #tpu.memory_space<vmem>>)
      tpu.yield
    }) : () -> ()
    %add3A_5 = arith.constant 0 : i32
    %add3A_6 = arith.addi %multiple_of3A, %add3A_5 : i32
    %multiple_of3A_7 = tpu.assume_multiple %add3A_6, 8 : i32
    %dma_start3A = arith.constant 0 : i32
    %dma_start3A_8 = arith.constant 0 : i32
    %dma_start3A_9 = arith.constant 0 : i32
    %dma_start3A_10 = tpu.memref_slice %arg9[%dma_start3A_8, %dma_start3A_9] : memref<6x80xi32, #tpu.memory_space<vmem>> -> memref<1x80xi32, #tpu.memory_space<vmem>>
    %dma_start3A_11 = tpu.memref_squeeze %dma_start3A_10 : memref<1x80xi32, #tpu.memory_space<vmem>> -> memref<80xi32, #tpu.memory_space<vmem>>
    %dma_start3A_12 = tpu.memref_slice %arg3[%dma_start3A, %multiple_of3A_7] : memref<2x320000xi32, #tpu.memory_space<hbm>> -> memref<1x80xi32, #tpu.memory_space<hbm>>
    %dma_start3A_13 = tpu.memref_squeeze %dma_start3A_12 : memref<1x80xi32, #tpu.memory_space<hbm>> -> memref<80xi32, #tpu.memory_space<hbm>>
    %dma_start3A_14 = arith.constant 0 : i32
    %dma_start3A_15 = tpu.memref_slice %arg9[%dma_start3A_8, %dma_start3A_14] : memref<6x80xi32, #tpu.memory_space<vmem>> -> memref<1x80xi32, #tpu.memory_space<vmem>>
    %dma_start3A_16 = tpu.memref_squeeze %dma_start3A_15 : memref<1x80xi32, #tpu.memory_space<vmem>> -> memref<80xi32, #tpu.memory_space<vmem>>
    %dma_start3A_17 = tpu.memref_slice %arg3[%dma_start3A, %multiple_of3A_7] : memref<2x320000xi32, #tpu.memory_space<hbm>> -> memref<1x80xi32, #tpu.memory_space<hbm>>
    %dma_start3A_18 = tpu.memref_squeeze %dma_start3A_17 : memref<1x80xi32, #tpu.memory_space<hbm>> -> memref<80xi32, #tpu.memory_space<hbm>>
    tpu.enqueue_dma source(%dma_start3A_18 : memref<80xi32, #tpu.memory_space<hbm>>) target(%dma_start3A_16 : memref<80xi32, #tpu.memory_space<vmem>>) target_semaphore(%arg15 : memref<!tpu.dma_semaphore, #tpu.memory_space<semaphore_mem>>)
    %add3A_19 = arith.constant 0 : i32
    %add3A_20 = arith.addi %multiple_of3A, %add3A_19 : i32
    %multiple_of3A_21 = tpu.assume_multiple %add3A_20, 8 : i32
    %dma_start3A_22 = arith.constant 1 : i32
    %dma_start3A_23 = arith.constant 0 : i32
    %dma_start3A_24 = arith.constant 0 : i32
    %dma_start3A_25 = tpu.memref_slice %arg10[%dma_start3A_23, %dma_start3A_24] : memref<6x80xi32, #tpu.memory_space<vmem>> -> memref<1x80xi32, #tpu.memory_space<vmem>>
    %dma_start3A_26 = tpu.memref_squeeze %dma_start3A_25 : memref<1x80xi32, #tpu.memory_space<vmem>> -> memref<80xi32, #tpu.memory_space<vmem>>
    %dma_start3A_27 = tpu.memref_slice %arg3[%dma_start3A_22, %multiple_of3A_21] : memref<2x320000xi32, #tpu.memory_space<hbm>> -> memref<1x80xi32, #tpu.memory_space<hbm>>
    %dma_start3A_28 = tpu.memref_squeeze %dma_start3A_27 : memref<1x80xi32, #tpu.memory_space<hbm>> -> memref<80xi32, #tpu.memory_space<hbm>>
    %dma_start3A_29 = arith.constant 0 : i32
    %dma_start3A_30 = tpu.memref_slice %arg10[%dma_start3A_23, %dma_start3A_29] : memref<6x80xi32, #tpu.memory_space<vmem>> -> memref<1x80xi32, #tpu.memory_space<vmem>>
    %dma_start3A_31 = tpu.memref_squeeze %dma_start3A_30 : memref<1x80xi32, #tpu.memory_space<vmem>> -> memref<80xi32, #tpu.memory_space<vmem>>
    %dma_start3A_32 = tpu.memref_slice %arg3[%dma_start3A_22, %multiple_of3A_21] : memref<2x320000xi32, #tpu.memory_space<hbm>> -> memref<1x80xi32, #tpu.memory_space<hbm>>
    %dma_start3A_33 = tpu.memref_squeeze %dma_start3A_32 : memref<1x80xi32, #tpu.memory_space<hbm>> -> memref<80xi32, #tpu.memory_space<hbm>>
    tpu.enqueue_dma source(%dma_start3A_33 : memref<80xi32, #tpu.memory_space<hbm>>) target(%dma_start3A_31 : memref<80xi32, #tpu.memory_space<vmem>>) target_semaphore(%arg15 : memref<!tpu.dma_semaphore, #tpu.memory_space<semaphore_mem>>)
    %add3A_34 = arith.constant 80 : i32
    %add3A_35 = arith.addi %multiple_of3A, %add3A_34 : i32
    %multiple_of3A_36 = tpu.assume_multiple %add3A_35, 8 : i32
    %dma_start3A_37 = arith.constant 0 : i32
    %dma_start3A_38 = arith.constant 1 : i32
    %dma_start3A_39 = arith.constant 0 : i32
    %dma_start3A_40 = tpu.memref_slice %arg9[%dma_start3A_38, %dma_start3A_39] : memref<6x80xi32, #tpu.memory_space<vmem>> -> memref<1x80xi32, #tpu.memory_space<vmem>>
    %dma_start3A_41 = tpu.memref_squeeze %dma_start3A_40 : memref<1x80xi32, #tpu.memory_space<vmem>> -> memref<80xi32, #tpu.memory_space<vmem>>
    %dma_start3A_42 = tpu.memref_slice %arg3[%dma_start3A_37, %multiple_of3A_36] : memref<2x320000xi32, #tpu.memory_space<hbm>> -> memref<1x80xi32, #tpu.memory_space<hbm>>
    %dma_start3A_43 = tpu.memref_squeeze %dma_start3A_42 : memref<1x80xi32, #tpu.memory_space<hbm>> -> memref<80xi32, #tpu.memory_space<hbm>>
    %dma_start3A_44 = arith.constant 0 : i32
    %dma_start3A_45 = tpu.memref_slice %arg9[%dma_start3A_38, %dma_start3A_44] : memref<6x80xi32, #tpu.memory_space<vmem>> -> memref<1x80xi32, #tpu.memory_space<vmem>>
    %dma_start3A_46 = tpu.memref_squeeze %dma_start3A_45 : memref<1x80xi32, #tpu.memory_space<vmem>> -> memref<80xi32, #tpu.memory_space<vmem>>
    %dma_start3A_47 = tpu.memref_slice %arg3[%dma_start3A_37, %multiple_of3A_36] : memref<2x320000xi32, #tpu.memory_space<hbm>> -> memref<1x80xi32, #tpu.memory_space<hbm>>
    %dma_start3A_48 = tpu.memref_squeeze %dma_start3A_47 : memref<1x80xi32, #tpu.memory_space<hbm>> -> memref<80xi32, #tpu.memory_space<hbm>>
    tpu.enqueue_dma source(%dma_start3A_48 : memref<80xi32, #tpu.memory_space<hbm>>) target(%dma_start3A_46 : memref<80xi32, #tpu.memory_space<vmem>>) target_semaphore(%arg15 : memref<!tpu.dma_semaphore, #tpu.memory_space<semaphore_mem>>)
    %add3A_49 = arith.constant 80 : i32
    %add3A_50 = arith.addi %multiple_of3A, %add3A_49 : i32
    %multiple_of3A_51 = tpu.assume_multiple %add3A_50, 8 : i32
    %dma_start3A_52 = arith.constant 1 : i32
    %dma_start3A_53 = arith.constant 1 : i32
    %dma_start3A_54 = arith.constant 0 : i32
    %dma_start3A_55 = tpu.memref_slice %arg10[%dma_start3A_53, %dma_start3A_54] : memref<6x80xi32, #tpu.memory_space<vmem>> -> memref<1x80xi32, #tpu.memory_space<vmem>>
    %dma_start3A_56 = tpu.memref_squeeze %dma_start3A_55 : memref<1x80xi32, #tpu.memory_space<vmem>> -> memref<80xi32, #tpu.memory_space<vmem>>
    %dma_start3A_57 = tpu.memref_slice %arg3[%dma_start3A_52, %multiple_of3A_51] : memref<2x320000xi32, #tpu.memory_space<hbm>> -> memref<1x80xi32, #tpu.memory_space<hbm>>
    %dma_start3A_58 = tpu.memref_squeeze %dma_start3A_57 : memref<1x80xi32, #tpu.memory_space<hbm>> -> memref<80xi32, #tpu.memory_space<hbm>>
    %dma_start3A_59 = arith.constant 0 : i32
    %dma_start3A_60 = tpu.memref_slice %arg10[%dma_start3A_53, %dma_start3A_59] : memref<6x80xi32, #tpu.memory_space<vmem>> -> memref<1x80xi32, #tpu.memory_space<vmem>>
    %dma_start3A_61 = tpu.memref_squeeze %dma_start3A_60 : memref<1x80xi32, #tpu.memory_space<vmem>> -> memref<80xi32, #tpu.memory_space<vmem>>
    %dma_start3A_62 = tpu.memref_slice %arg3[%dma_start3A_52, %multiple_of3A_51] : memref<2x320000xi32, #tpu.memory_space<hbm>> -> memref<1x80xi32, #tpu.memory_space<hbm>>
    %dma_start3A_63 = tpu.memref_squeeze %dma_start3A_62 : memref<1x80xi32, #tpu.memory_space<hbm>> -> memref<80xi32, #tpu.memory_space<hbm>>
    tpu.enqueue_dma source(%dma_start3A_63 : memref<80xi32, #tpu.memory_space<hbm>>) target(%dma_start3A_61 : memref<80xi32, #tpu.memory_space<vmem>>) target_semaphore(%arg15 : memref<!tpu.dma_semaphore, #tpu.memory_space<semaphore_mem>>)
    %add3A_64 = arith.constant 160 : i32
    %add3A_65 = arith.addi %multiple_of3A, %add3A_64 : i32
    %multiple_of3A_66 = tpu.assume_multiple %add3A_65, 8 : i32
    %dma_start3A_67 = arith.constant 0 : i32
    %dma_start3A_68 = arith.constant 2 : i32
    %dma_start3A_69 = arith.constant 0 : i32
    %dma_start3A_70 = tpu.memref_slice %arg9[%dma_start3A_68, %dma_start3A_69] : memref<6x80xi32, #tpu.memory_space<vmem>> -> memref<1x80xi32, #tpu.memory_space<vmem>>
    %dma_start3A_71 = tpu.memref_squeeze %dma_start3A_70 : memref<1x80xi32, #tpu.memory_space<vmem>> -> memref<80xi32, #tpu.memory_space<vmem>>
    %dma_start3A_72 = tpu.memref_slice %arg3[%dma_start3A_67, %multiple_of3A_66] : memref<2x320000xi32, #tpu.memory_space<hbm>> -> memref<1x80xi32, #tpu.memory_space<hbm>>
    %dma_start3A_73 = tpu.memref_squeeze %dma_start3A_72 : memref<1x80xi32, #tpu.memory_space<hbm>> -> memref<80xi32, #tpu.memory_space<hbm>>
    %dma_start3A_74 = arith.constant 0 : i32
    %dma_start3A_75 = tpu.memref_slice %arg9[%dma_start3A_68, %dma_start3A_74] : memref<6x80xi32, #tpu.memory_space<vmem>> -> memref<1x80xi32, #tpu.memory_space<vmem>>
    %dma_start3A_76 = tpu.memref_squeeze %dma_start3A_75 : memref<1x80xi32, #tpu.memory_space<vmem>> -> memref<80xi32, #tpu.memory_space<vmem>>
    %dma_start3A_77 = tpu.memref_slice %arg3[%dma_start3A_67, %multiple_of3A_66] : memref<2x320000xi32, #tpu.memory_space<hbm>> -> memref<1x80xi32, #tpu.memory_space<hbm>>
    %dma_start3A_78 = tpu.memref_squeeze %dma_start3A_77 : memref<1x80xi32, #tpu.memory_space<hbm>> -> memref<80xi32, #tpu.memory_space<hbm>>
    tpu.enqueue_dma source(%dma_start3A_78 : memref<80xi32, #tpu.memory_space<hbm>>) target(%dma_start3A_76 : memref<80xi32, #tpu.memory_space<vmem>>) target_semaphore(%arg15 : memref<!tpu.dma_semaphore, #tpu.memory_space<semaphore_mem>>)
    %add3A_79 = arith.constant 160 : i32
    %add3A_80 = arith.addi %multiple_of3A, %add3A_79 : i32
    %multiple_of3A_81 = tpu.assume_multiple %add3A_80, 8 : i32
    %dma_start3A_82 = arith.constant 1 : i32
    %dma_start3A_83 = arith.constant 2 : i32
    %dma_start3A_84 = arith.constant 0 : i32
    %dma_start3A_85 = tpu.memref_slice %arg10[%dma_start3A_83, %dma_start3A_84] : memref<6x80xi32, #tpu.memory_space<vmem>> -> memref<1x80xi32, #tpu.memory_space<vmem>>
    %dma_start3A_86 = tpu.memref_squeeze %dma_start3A_85 : memref<1x80xi32, #tpu.memory_space<vmem>> -> memref<80xi32, #tpu.memory_space<vmem>>
    %dma_start3A_87 = tpu.memref_slice %arg3[%dma_start3A_82, %multiple_of3A_81] : memref<2x320000xi32, #tpu.memory_space<hbm>> -> memref<1x80xi32, #tpu.memory_space<hbm>>
    %dma_start3A_88 = tpu.memref_squeeze %dma_start3A_87 : memref<1x80xi32, #tpu.memory_space<hbm>> -> memref<80xi32, #tpu.memory_space<hbm>>
    %dma_start3A_89 = arith.constant 0 : i32
    %dma_start3A_90 = tpu.memref_slice %arg10[%dma_start3A_83, %dma_start3A_89] : memref<6x80xi32, #tpu.memory_space<vmem>> -> memref<1x80xi32, #tpu.memory_space<vmem>>
    %dma_start3A_91 = tpu.memref_squeeze %dma_start3A_90 : memref<1x80xi32, #tpu.memory_space<vmem>> -> memref<80xi32, #tpu.memory_space<vmem>>
    %dma_start3A_92 = tpu.memref_slice %arg3[%dma_start3A_82, %multiple_of3A_81] : memref<2x320000xi32, #tpu.memory_space<hbm>> -> memref<1x80xi32, #tpu.memory_space<hbm>>
    %dma_start3A_93 = tpu.memref_squeeze %dma_start3A_92 : memref<1x80xi32, #tpu.memory_space<hbm>> -> memref<80xi32, #tpu.memory_space<hbm>>
    tpu.enqueue_dma source(%dma_start3A_93 : memref<80xi32, #tpu.memory_space<hbm>>) target(%dma_start3A_91 : memref<80xi32, #tpu.memory_space<vmem>>) target_semaphore(%arg15 : memref<!tpu.dma_semaphore, #tpu.memory_space<semaphore_mem>>)
    %barrier3A = arith.constant 0 : index
    tpu.barrier barrier_id(%barrier3A)
    %add3A_94 = arith.constant 0 : i32
    %add3A_95 = arith.addi %multiple_of3A, %add3A_94 : i32
    %multiple_of3A_96 = tpu.assume_multiple %add3A_95, 8 : i32
    %dma_wait3A = arith.constant 0 : i32
    %dma_wait3A_97 = arith.constant 0 : i32
    %dma_wait3A_98 = arith.constant 0 : i32
    %dma_wait3A_99 = tpu.memref_slice %arg9[%dma_wait3A_97, %dma_wait3A_98] : memref<6x80xi32, #tpu.memory_space<vmem>> -> memref<1x80xi32, #tpu.memory_space<vmem>>
    %dma_wait3A_100 = tpu.memref_squeeze %dma_wait3A_99 : memref<1x80xi32, #tpu.memory_space<vmem>> -> memref<80xi32, #tpu.memory_space<vmem>>
    %dma_wait3A_101 = tpu.memref_slice %arg3[%dma_wait3A, %multiple_of3A_96] : memref<2x320000xi32, #tpu.memory_space<hbm>> -> memref<1x80xi32, #tpu.memory_space<hbm>>
    %dma_wait3A_102 = tpu.memref_squeeze %dma_wait3A_101 : memref<1x80xi32, #tpu.memory_space<hbm>> -> memref<80xi32, #tpu.memory_space<hbm>>
    %dma_wait3A_103 = arith.constant 0 : i32
    %dma_wait3A_104 = tpu.memref_slice %arg9[%dma_wait3A_97, %dma_wait3A_103] : memref<6x80xi32, #tpu.memory_space<vmem>> -> memref<1x80xi32, #tpu.memory_space<vmem>>
    %dma_wait3A_105 = tpu.memref_squeeze %dma_wait3A_104 : memref<1x80xi32, #tpu.memory_space<vmem>> -> memref<80xi32, #tpu.memory_space<vmem>>
    %dma_wait3A_106 = tpu.memref_slice %arg3[%dma_wait3A, %multiple_of3A_96] : memref<2x320000xi32, #tpu.memory_space<hbm>> -> memref<1x80xi32, #tpu.memory_space<hbm>>
    %dma_wait3A_107 = tpu.memref_squeeze %dma_wait3A_106 : memref<1x80xi32, #tpu.memory_space<hbm>> -> memref<80xi32, #tpu.memory_space<hbm>>
    tpu.wait_dma2 semaphore(%arg15 : memref<!tpu.dma_semaphore, #tpu.memory_space<semaphore_mem>>) src(%dma_wait3A_107 : memref<80xi32, #tpu.memory_space<hbm>>) dst(%dma_wait3A_105 : memref<80xi32, #tpu.memory_space<vmem>>)
    %add3A_108 = arith.constant 0 : i32
    %add3A_109 = arith.addi %multiple_of3A, %add3A_108 : i32
    %multiple_of3A_110 = tpu.assume_multiple %add3A_109, 8 : i32
    %dma_wait3A_111 = arith.constant 1 : i32
    %dma_wait3A_112 = arith.constant 0 : i32
    %dma_wait3A_113 = arith.constant 0 : i32
    %dma_wait3A_114 = tpu.memref_slice %arg10[%dma_wait3A_112, %dma_wait3A_113] : memref<6x80xi32, #tpu.memory_space<vmem>> -> memref<1x80xi32, #tpu.memory_space<vmem>>
    %dma_wait3A_115 = tpu.memref_squeeze %dma_wait3A_114 : memref<1x80xi32, #tpu.memory_space<vmem>> -> memref<80xi32, #tpu.memory_space<vmem>>
    %dma_wait3A_116 = tpu.memref_slice %arg3[%dma_wait3A_111, %multiple_of3A_110] : memref<2x320000xi32, #tpu.memory_space<hbm>> -> memref<1x80xi32, #tpu.memory_space<hbm>>
    %dma_wait3A_117 = tpu.memref_squeeze %dma_wait3A_116 : memref<1x80xi32, #tpu.memory_space<hbm>> -> memref<80xi32, #tpu.memory_space<hbm>>
    %dma_wait3A_118 = arith.constant 0 : i32
    %dma_wait3A_119 = tpu.memref_slice %arg10[%dma_wait3A_112, %dma_wait3A_118] : memref<6x80xi32, #tpu.memory_space<vmem>> -> memref<1x80xi32, #tpu.memory_space<vmem>>
    %dma_wait3A_120 = tpu.memref_squeeze %dma_wait3A_119 : memref<1x80xi32, #tpu.memory_space<vmem>> -> memref<80xi32, #tpu.memory_space<vmem>>
    %dma_wait3A_121 = tpu.memref_slice %arg3[%dma_wait3A_111, %multiple_of3A_110] : memref<2x320000xi32, #tpu.memory_space<hbm>> -> memref<1x80xi32, #tpu.memory_space<hbm>>
    %dma_wait3A_122 = tpu.memref_squeeze %dma_wait3A_121 : memref<1x80xi32, #tpu.memory_space<hbm>> -> memref<80xi32, #tpu.memory_space<hbm>>
    tpu.wait_dma2 semaphore(%arg15 : memref<!tpu.dma_semaphore, #tpu.memory_space<semaphore_mem>>) src(%dma_wait3A_122 : memref<80xi32, #tpu.memory_space<hbm>>) dst(%dma_wait3A_120 : memref<80xi32, #tpu.memory_space<vmem>>)
    %dma_start3A_123 = arith.constant 0 : i32
    %dma_start3A_124 = arith.constant 0 : i32
    %dma_start3A_125 = arith.constant 0 : i32
    %dma_start3A_126 = arith.constant 0 : i32
    %dma_start3A_127 = tpu.memref_slice %arg11[%dma_start3A_124, %dma_start3A_125, %dma_start3A_126] : memref<3x80x128xf32, #tpu.memory_space<vmem>> -> memref<1x80x128xf32, #tpu.memory_space<vmem>>
    %dma_start3A_128 = tpu.memref_squeeze %dma_start3A_127 : memref<1x80x128xf32, #tpu.memory_space<vmem>> -> memref<80x128xf32, #tpu.memory_space<vmem>>
    %dma_start3A_129 = arith.constant 0 : i32
    %dma_start3A_130 = tpu.memref_slice %arg10[%dma_start3A_123, %dma_start3A_129] : memref<6x80xi32, #tpu.memory_space<vmem>> -> memref<1x80xi32, #tpu.memory_space<vmem>>
    %dma_start3A_131 = tpu.memref_squeeze %dma_start3A_130 : memref<1x80xi32, #tpu.memory_space<vmem>> -> memref<80xi32, #tpu.memory_space<vmem>>
    %dma_start3A_132 = arith.constant 0 : i32
    %dma_start3A_133 = arith.constant 0 : i32
    %dma_start3A_134 = tpu.memref_slice %arg2[%dma_start3A_132, %dma_start3A_133] : memref<10000x128xf32, #tpu.memory_space<hbm>> -> memref<10000x128xf32, #tpu.memory_space<hbm>>
    tpu.enqueue_indirect_dma source(%dma_start3A_134 : memref<10000x128xf32, #tpu.memory_space<hbm>>) target(%dma_start3A_128 : memref<80x128xf32, #tpu.memory_space<vmem>>) offsets(%dma_start3A_131 : memref<80xi32, #tpu.memory_space<vmem>>) semaphore(%arg16 : memref<!tpu.dma_semaphore, #tpu.memory_space<semaphore_mem>>)
    %add3A_135 = arith.constant 80 : i32
    %add3A_136 = arith.addi %multiple_of3A, %add3A_135 : i32
    %multiple_of3A_137 = tpu.assume_multiple %add3A_136, 8 : i32
    %dma_wait3A_138 = arith.constant 0 : i32
    %dma_wait3A_139 = arith.constant 1 : i32
    %dma_wait3A_140 = arith.constant 0 : i32
    %dma_wait3A_141 = tpu.memref_slice %arg9[%dma_wait3A_139, %dma_wait3A_140] : memref<6x80xi32, #tpu.memory_space<vmem>> -> memref<1x80xi32, #tpu.memory_space<vmem>>
    %dma_wait3A_142 = tpu.memref_squeeze %dma_wait3A_141 : memref<1x80xi32, #tpu.memory_space<vmem>> -> memref<80xi32, #tpu.memory_space<vmem>>
    %dma_wait3A_143 = tpu.memref_slice %arg3[%dma_wait3A_138, %multiple_of3A_137] : memref<2x320000xi32, #tpu.memory_space<hbm>> -> memref<1x80xi32, #tpu.memory_space<hbm>>
    %dma_wait3A_144 = tpu.memref_squeeze %dma_wait3A_143 : memref<1x80xi32, #tpu.memory_space<hbm>> -> memref<80xi32, #tpu.memory_space<hbm>>
    %dma_wait3A_145 = arith.constant 0 : i32
    %dma_wait3A_146 = tpu.memref_slice %arg9[%dma_wait3A_139, %dma_wait3A_145] : memref<6x80xi32, #tpu.memory_space<vmem>> -> memref<1x80xi32, #tpu.memory_space<vmem>>
    %dma_wait3A_147 = tpu.memref_squeeze %dma_wait3A_146 : memref<1x80xi32, #tpu.memory_space<vmem>> -> memref<80xi32, #tpu.memory_space<vmem>>
    %dma_wait3A_148 = tpu.memref_slice %arg3[%dma_wait3A_138, %multiple_of3A_137] : memref<2x320000xi32, #tpu.memory_space<hbm>> -> memref<1x80xi32, #tpu.memory_space<hbm>>
    %dma_wait3A_149 = tpu.memref_squeeze %dma_wait3A_148 : memref<1x80xi32, #tpu.memory_space<hbm>> -> memref<80xi32, #tpu.memory_space<hbm>>
    tpu.wait_dma2 semaphore(%arg15 : memref<!tpu.dma_semaphore, #tpu.memory_space<semaphore_mem>>) src(%dma_wait3A_149 : memref<80xi32, #tpu.memory_space<hbm>>) dst(%dma_wait3A_147 : memref<80xi32, #tpu.memory_space<vmem>>)
    %add3A_150 = arith.constant 80 : i32
    %add3A_151 = arith.addi %multiple_of3A, %add3A_150 : i32
    %multiple_of3A_152 = tpu.assume_multiple %add3A_151, 8 : i32
    %dma_wait3A_153 = arith.constant 1 : i32
    %dma_wait3A_154 = arith.constant 1 : i32
    %dma_wait3A_155 = arith.constant 0 : i32
    %dma_wait3A_156 = tpu.memref_slice %arg10[%dma_wait3A_154, %dma_wait3A_155] : memref<6x80xi32, #tpu.memory_space<vmem>> -> memref<1x80xi32, #tpu.memory_space<vmem>>
    %dma_wait3A_157 = tpu.memref_squeeze %dma_wait3A_156 : memref<1x80xi32, #tpu.memory_space<vmem>> -> memref<80xi32, #tpu.memory_space<vmem>>
    %dma_wait3A_158 = tpu.memref_slice %arg3[%dma_wait3A_153, %multiple_of3A_152] : memref<2x320000xi32, #tpu.memory_space<hbm>> -> memref<1x80xi32, #tpu.memory_space<hbm>>
    %dma_wait3A_159 = tpu.memref_squeeze %dma_wait3A_158 : memref<1x80xi32, #tpu.memory_space<hbm>> -> memref<80xi32, #tpu.memory_space<hbm>>
    %dma_wait3A_160 = arith.constant 0 : i32
    %dma_wait3A_161 = tpu.memref_slice %arg10[%dma_wait3A_154, %dma_wait3A_160] : memref<6x80xi32, #tpu.memory_space<vmem>> -> memref<1x80xi32, #tpu.memory_space<vmem>>
    %dma_wait3A_162 = tpu.memref_squeeze %dma_wait3A_161 : memref<1x80xi32, #tpu.memory_space<vmem>> -> memref<80xi32, #tpu.memory_space<vmem>>
    %dma_wait3A_163 = tpu.memref_slice %arg3[%dma_wait3A_153, %multiple_of3A_152] : memref<2x320000xi32, #tpu.memory_space<hbm>> -> memref<1x80xi32, #tpu.memory_space<hbm>>
    %dma_wait3A_164 = tpu.memref_squeeze %dma_wait3A_163 : memref<1x80xi32, #tpu.memory_space<hbm>> -> memref<80xi32, #tpu.memory_space<hbm>>
    tpu.wait_dma2 semaphore(%arg15 : memref<!tpu.dma_semaphore, #tpu.memory_space<semaphore_mem>>) src(%dma_wait3A_164 : memref<80xi32, #tpu.memory_space<hbm>>) dst(%dma_wait3A_162 : memref<80xi32, #tpu.memory_space<vmem>>)
    %dma_start3A_165 = arith.constant 1 : i32
    %dma_start3A_166 = arith.constant 1 : i32
    %dma_start3A_167 = arith.constant 0 : i32
    %dma_start3A_168 = arith.constant 0 : i32
    %dma_start3A_169 = tpu.memref_slice %arg11[%dma_start3A_166, %dma_start3A_167, %dma_start3A_168] : memref<3x80x128xf32, #tpu.memory_space<vmem>> -> memref<1x80x128xf32, #tpu.memory_space<vmem>>
    %dma_start3A_170 = tpu.memref_squeeze %dma_start3A_169 : memref<1x80x128xf32, #tpu.memory_space<vmem>> -> memref<80x128xf32, #tpu.memory_space<vmem>>
    %dma_start3A_171 = arith.constant 0 : i32
    %dma_start3A_172 = tpu.memref_slice %arg10[%dma_start3A_165, %dma_start3A_171] : memref<6x80xi32, #tpu.memory_space<vmem>> -> memref<1x80xi32, #tpu.memory_space<vmem>>
    %dma_start3A_173 = tpu.memref_squeeze %dma_start3A_172 : memref<1x80xi32, #tpu.memory_space<vmem>> -> memref<80xi32, #tpu.memory_space<vmem>>
    %dma_start3A_174 = arith.constant 0 : i32
    %dma_start3A_175 = arith.constant 0 : i32
    %dma_start3A_176 = tpu.memref_slice %arg2[%dma_start3A_174, %dma_start3A_175] : memref<10000x128xf32, #tpu.memory_space<hbm>> -> memref<10000x128xf32, #tpu.memory_space<hbm>>
    tpu.enqueue_indirect_dma source(%dma_start3A_176 : memref<10000x128xf32, #tpu.memory_space<hbm>>) target(%dma_start3A_170 : memref<80x128xf32, #tpu.memory_space<vmem>>) offsets(%dma_start3A_173 : memref<80xi32, #tpu.memory_space<vmem>>) semaphore(%arg16 : memref<!tpu.dma_semaphore, #tpu.memory_space<semaphore_mem>>)
    %scan3A = arith.constant 0 : i32
    %scan3A_177 = arith.constant 0 : i32
    %scan3A_178 = arith.constant 125 : i32
    %scan3A_179 = arith.addi %scan3A_177, %scan3A_178 : i32
    %scan3A_180 = arith.constant 1 : i32
    %scan3A_181 = scf.for %scan3A_203 = %scan3A_177 to %scan3A_179 step %scan3A_180 iter_args(%scan3A_204 = %scan3A) -> (i32)  : i32 {
      %rem3A = arith.constant 3 : i32
      %rem3A_205 = arith.remsi %scan3A_203, %rem3A : i32
      %ge3A = arith.constant 1 : i32
      %ge3A_206 = arith.cmpi sge, %scan3A_203, %ge3A : i32
      %convert_element_type3A = arith.extui %ge3A_206 : i1 to i32
      %cond3A = arith.constant 0 : i32
      %cond3A_207 = arith.cmpi ne, %convert_element_type3A, %cond3A : i32
      scf.if %cond3A_207 {
        %add3A_250 = arith.constant 5 : i32
        %add3A_251 = arith.addi %scan3A_203, %add3A_250 : i32
        %rem3A_252 = arith.constant 6 : i32
        %rem3A_253 = arith.remsi %add3A_251, %rem3A_252 : i32
        %add3A_254 = arith.constant 2 : i32
        %add3A_255 = arith.addi %scan3A_203, %add3A_254 : i32
        %rem3A_256 = arith.constant 3 : i32
        %rem3A_257 = arith.remsi %add3A_255, %rem3A_256 : i32
        %dma_wait3A_258 = arith.constant 0 : i32
        %dma_wait3A_259 = arith.constant 0 : i32
        %dma_wait3A_260 = tpu.memref_slice %arg11[%rem3A_257, %dma_wait3A_258, %dma_wait3A_259] : memref<3x80x128xf32, #tpu.memory_space<vmem>> -> memref<1x80x128xf32, #tpu.memory_space<vmem>>
        %dma_wait3A_261 = tpu.memref_squeeze %dma_wait3A_260 : memref<1x80x128xf32, #tpu.memory_space<vmem>> -> memref<80x128xf32, #tpu.memory_space<vmem>>
        %dma_wait3A_262 = arith.constant 0 : i32
        %dma_wait3A_263 = tpu.memref_slice %arg9[%rem3A_253, %dma_wait3A_262] : memref<6x80xi32, #tpu.memory_space<vmem>> -> memref<1x80xi32, #tpu.memory_space<vmem>>
        %dma_wait3A_264 = tpu.memref_squeeze %dma_wait3A_263 : memref<1x80xi32, #tpu.memory_space<vmem>> -> memref<80xi32, #tpu.memory_space<vmem>>
        %dma_wait3A_265 = arith.constant 0 : i32
        %dma_wait3A_266 = arith.constant 0 : i32
        %dma_wait3A_267 = tpu.memref_slice %arg13[%dma_wait3A_265, %dma_wait3A_266] : memref<10112x128xf32, #tpu.memory_space<vmem_shared>> -> memref<10112x128xf32, #tpu.memory_space<vmem_shared>>
        tpu.wait_indirect_dma semaphore(%arg17 : memref<!tpu.dma_semaphore, #tpu.memory_space<semaphore_mem>>) src(%dma_wait3A_261 : memref<80x128xf32, #tpu.memory_space<vmem>>) dst(%dma_wait3A_267 : memref<10112x128xf32, #tpu.memory_space<vmem_shared>>)
        %dma_wait3A_268 = arith.constant 0 : i32
        %dma_wait3A_269 = tpu.memref_slice %arg9[%rem3A_253, %dma_wait3A_268] : memref<6x80xi32, #tpu.memory_space<vmem>> -> memref<1x80xi32, #tpu.memory_space<vmem>>
        %dma_wait3A_270 = tpu.memref_squeeze %dma_wait3A_269 : memref<1x80xi32, #tpu.memory_space<vmem>> -> memref<80xi32, #tpu.memory_space<vmem>>
        %dma_wait3A_271 = arith.constant 0 : i32
        %dma_wait3A_272 = arith.constant 0 : i32
        %dma_wait3A_273 = tpu.memref_slice %arg14[%dma_wait3A_271, %dma_wait3A_272] : memref<10112x16xf32, #tpu.memory_space<vmem_shared>> -> memref<10112x16xf32, #tpu.memory_space<vmem_shared>>
        tpu.wait_indirect_dma semaphore(%arg18 : memref<!tpu.dma_semaphore, #tpu.memory_space<semaphore_mem>>) src(%arg12 : memref<80x16xf32, #tpu.memory_space<vmem>>) dst(%dma_wait3A_273 : memref<10112x16xf32, #tpu.memory_space<vmem_shared>>)
      } else {
      }
      %add3A_208 = arith.constant 2 : i32
      %add3A_209 = arith.addi %scan3A_203, %add3A_208 : i32
      %lt3A = arith.constant 125 : i32
      %lt3A_210 = arith.cmpi slt, %add3A_209, %lt3A : i32
      %convert_element_type3A_211 = arith.extui %lt3A_210 : i1 to i32
      %cond3A_212 = arith.constant 0 : i32
      %cond3A_213 = arith.cmpi ne, %convert_element_type3A_211, %cond3A_212 : i32
      scf.if %cond3A_213 {
        %add3A_250 = arith.constant 2 : i32
        %add3A_251 = arith.addi %scan3A_203, %add3A_250 : i32
        %rem3A_252 = arith.constant 6 : i32
        %rem3A_253 = arith.remsi %add3A_251, %rem3A_252 : i32
        %add3A_254 = arith.constant 2 : i32
        %add3A_255 = arith.addi %scan3A_203, %add3A_254 : i32
        %mul3A_256 = arith.constant 80 : i32
        %mul3A_257 = arith.muli %add3A_255, %mul3A_256 : i32
        %add3A_258 = arith.addi %multiple_of3A, %mul3A_257 : i32
        %multiple_of3A_259 = tpu.assume_multiple %add3A_258, 8 : i32
        %dma_wait3A_260 = arith.constant 0 : i32
        %dma_wait3A_261 = arith.constant 0 : i32
        %dma_wait3A_262 = tpu.memref_slice %arg9[%rem3A_253, %dma_wait3A_261] : memref<6x80xi32, #tpu.memory_space<vmem>> -> memref<1x80xi32, #tpu.memory_space<vmem>>
        %dma_wait3A_263 = tpu.memref_squeeze %dma_wait3A_262 : memref<1x80xi32, #tpu.memory_space<vmem>> -> memref<80xi32, #tpu.memory_space<vmem>>
        %dma_wait3A_264 = tpu.memref_slice %arg3[%dma_wait3A_260, %multiple_of3A_259] : memref<2x320000xi32, #tpu.memory_space<hbm>> -> memref<1x80xi32, #tpu.memory_space<hbm>>
        %dma_wait3A_265 = tpu.memref_squeeze %dma_wait3A_264 : memref<1x80xi32, #tpu.memory_space<hbm>> -> memref<80xi32, #tpu.memory_space<hbm>>
        %dma_wait3A_266 = arith.constant 0 : i32
        %dma_wait3A_267 = tpu.memref_slice %arg9[%rem3A_253, %dma_wait3A_266] : memref<6x80xi32, #tpu.memory_space<vmem>> -> memref<1x80xi32, #tpu.memory_space<vmem>>
        %dma_wait3A_268 = tpu.memref_squeeze %dma_wait3A_267 : memref<1x80xi32, #tpu.memory_space<vmem>> -> memref<80xi32, #tpu.memory_space<vmem>>
        %dma_wait3A_269 = tpu.memref_slice %arg3[%dma_wait3A_260, %multiple_of3A_259] : memref<2x320000xi32, #tpu.memory_space<hbm>> -> memref<1x80xi32, #tpu.memory_space<hbm>>
        %dma_wait3A_270 = tpu.memref_squeeze %dma_wait3A_269 : memref<1x80xi32, #tpu.memory_space<hbm>> -> memref<80xi32, #tpu.memory_space<hbm>>
        tpu.wait_dma2 semaphore(%arg15 : memref<!tpu.dma_semaphore, #tpu.memory_space<semaphore_mem>>) src(%dma_wait3A_270 : memref<80xi32, #tpu.memory_space<hbm>>) dst(%dma_wait3A_268 : memref<80xi32, #tpu.memory_space<vmem>>)
        %add3A_271 = arith.constant 2 : i32
        %add3A_272 = arith.addi %scan3A_203, %add3A_271 : i32
        %mul3A_273 = arith.constant 80 : i32
        %mul3A_274 = arith.muli %add3A_272, %mul3A_273 : i32
        %add3A_275 = arith.addi %multiple_of3A, %mul3A_274 : i32
        %multiple_of3A_276 = tpu.assume_multiple %add3A_275, 8 : i32
        %dma_wait3A_277 = arith.constant 1 : i32
        %dma_wait3A_278 = arith.constant 0 : i32
        %dma_wait3A_279 = tpu.memref_slice %arg10[%rem3A_253, %dma_wait3A_278] : memref<6x80xi32, #tpu.memory_space<vmem>> -> memref<1x80xi32, #tpu.memory_space<vmem>>
        %dma_wait3A_280 = tpu.memref_squeeze %dma_wait3A_279 : memref<1x80xi32, #tpu.memory_space<vmem>> -> memref<80xi32, #tpu.memory_space<vmem>>
        %dma_wait3A_281 = tpu.memref_slice %arg3[%dma_wait3A_277, %multiple_of3A_276] : memref<2x320000xi32, #tpu.memory_space<hbm>> -> memref<1x80xi32, #tpu.memory_space<hbm>>
        %dma_wait3A_282 = tpu.memref_squeeze %dma_wait3A_281 : memref<1x80xi32, #tpu.memory_space<hbm>> -> memref<80xi32, #tpu.memory_space<hbm>>
        %dma_wait3A_283 = arith.constant 0 : i32
        %dma_wait3A_284 = tpu.memref_slice %arg10[%rem3A_253, %dma_wait3A_283] : memref<6x80xi32, #tpu.memory_space<vmem>> -> memref<1x80xi32, #tpu.memory_space<vmem>>
        %dma_wait3A_285 = tpu.memref_squeeze %dma_wait3A_284 : memref<1x80xi32, #tpu.memory_space<vmem>> -> memref<80xi32, #tpu.memory_space<vmem>>
        %dma_wait3A_286 = tpu.memref_slice %arg3[%dma_wait3A_277, %multiple_of3A_276] : memref<2x320000xi32, #tpu.memory_space<hbm>> -> memref<1x80xi32, #tpu.memory_space<hbm>>
        %dma_wait3A_287 = tpu.memref_squeeze %dma_wait3A_286 : memref<1x80xi32, #tpu.memory_space<hbm>> -> memref<80xi32, #tpu.memory_space<hbm>>
        tpu.wait_dma2 semaphore(%arg15 : memref<!tpu.dma_semaphore, #tpu.memory_space<semaphore_mem>>) src(%dma_wait3A_287 : memref<80xi32, #tpu.memory_space<hbm>>) dst(%dma_wait3A_285 : memref<80xi32, #tpu.memory_space<vmem>>)
        %add3A_288 = arith.constant 2 : i32
        %add3A_289 = arith.addi %scan3A_203, %add3A_288 : i32
        %rem3A_290 = arith.constant 3 : i32
        %rem3A_291 = arith.remsi %add3A_289, %rem3A_290 : i32
        %dma_start3A_292 = arith.constant 0 : i32
        %dma_start3A_293 = arith.constant 0 : i32
        %dma_start3A_294 = tpu.memref_slice %arg11[%rem3A_291, %dma_start3A_292, %dma_start3A_293] : memref<3x80x128xf32, #tpu.memory_space<vmem>> -> memref<1x80x128xf32, #tpu.memory_space<vmem>>
        %dma_start3A_295 = tpu.memref_squeeze %dma_start3A_294 : memref<1x80x128xf32, #tpu.memory_space<vmem>> -> memref<80x128xf32, #tpu.memory_space<vmem>>
        %dma_start3A_296 = arith.constant 0 : i32
        %dma_start3A_297 = tpu.memref_slice %arg10[%rem3A_253, %dma_start3A_296] : memref<6x80xi32, #tpu.memory_space<vmem>> -> memref<1x80xi32, #tpu.memory_space<vmem>>
        %dma_start3A_298 = tpu.memref_squeeze %dma_start3A_297 : memref<1x80xi32, #tpu.memory_space<vmem>> -> memref<80xi32, #tpu.memory_space<vmem>>
        %dma_start3A_299 = arith.constant 0 : i32
        %dma_start3A_300 = arith.constant 0 : i32
        %dma_start3A_301 = tpu.memref_slice %arg2[%dma_start3A_299, %dma_start3A_300] : memref<10000x128xf32, #tpu.memory_space<hbm>> -> memref<10000x128xf32, #tpu.memory_space<hbm>>
        tpu.enqueue_indirect_dma source(%dma_start3A_301 : memref<10000x128xf32, #tpu.memory_space<hbm>>) target(%dma_start3A_295 : memref<80x128xf32, #tpu.memory_space<vmem>>) offsets(%dma_start3A_298 : memref<80xi32, #tpu.memory_space<vmem>>) semaphore(%arg16 : memref<!tpu.dma_semaphore, #tpu.memory_space<semaphore_mem>>)
      } else {
      }
      %add3A_214 = arith.constant 3 : i32
      %add3A_215 = arith.addi %scan3A_203, %add3A_214 : i32
      %lt3A_216 = arith.constant 125 : i32
      %lt3A_217 = arith.cmpi slt, %add3A_215, %lt3A_216 : i32
      %convert_element_type3A_218 = arith.extui %lt3A_217 : i1 to i32
      %cond3A_219 = arith.constant 0 : i32
      %cond3A_220 = arith.cmpi ne, %convert_element_type3A_218, %cond3A_219 : i32
      scf.if %cond3A_220 {
        %add3A_250 = arith.constant 3 : i32
        %add3A_251 = arith.addi %scan3A_203, %add3A_250 : i32
        %rem3A_252 = arith.constant 6 : i32
        %rem3A_253 = arith.remsi %add3A_251, %rem3A_252 : i32
        %add3A_254 = arith.constant 3 : i32
        %add3A_255 = arith.addi %scan3A_203, %add3A_254 : i32
        %mul3A_256 = arith.constant 80 : i32
        %mul3A_257 = arith.muli %add3A_255, %mul3A_256 : i32
        %add3A_258 = arith.addi %multiple_of3A, %mul3A_257 : i32
        %multiple_of3A_259 = tpu.assume_multiple %add3A_258, 8 : i32
        %dma_start3A_260 = arith.constant 0 : i32
        %dma_start3A_261 = arith.constant 0 : i32
        %dma_start3A_262 = tpu.memref_slice %arg9[%rem3A_253, %dma_start3A_261] : memref<6x80xi32, #tpu.memory_space<vmem>> -> memref<1x80xi32, #tpu.memory_space<vmem>>
        %dma_start3A_263 = tpu.memref_squeeze %dma_start3A_262 : memref<1x80xi32, #tpu.memory_space<vmem>> -> memref<80xi32, #tpu.memory_space<vmem>>
        %dma_start3A_264 = tpu.memref_slice %arg3[%dma_start3A_260, %multiple_of3A_259] : memref<2x320000xi32, #tpu.memory_space<hbm>> -> memref<1x80xi32, #tpu.memory_space<hbm>>
        %dma_start3A_265 = tpu.memref_squeeze %dma_start3A_264 : memref<1x80xi32, #tpu.memory_space<hbm>> -> memref<80xi32, #tpu.memory_space<hbm>>
        %dma_start3A_266 = arith.constant 0 : i32
        %dma_start3A_267 = tpu.memref_slice %arg9[%rem3A_253, %dma_start3A_266] : memref<6x80xi32, #tpu.memory_space<vmem>> -> memref<1x80xi32, #tpu.memory_space<vmem>>
        %dma_start3A_268 = tpu.memref_squeeze %dma_start3A_267 : memref<1x80xi32, #tpu.memory_space<vmem>> -> memref<80xi32, #tpu.memory_space<vmem>>
        %dma_start3A_269 = tpu.memref_slice %arg3[%dma_start3A_260, %multiple_of3A_259] : memref<2x320000xi32, #tpu.memory_space<hbm>> -> memref<1x80xi32, #tpu.memory_space<hbm>>
        %dma_start3A_270 = tpu.memref_squeeze %dma_start3A_269 : memref<1x80xi32, #tpu.memory_space<hbm>> -> memref<80xi32, #tpu.memory_space<hbm>>
        tpu.enqueue_dma source(%dma_start3A_270 : memref<80xi32, #tpu.memory_space<hbm>>) target(%dma_start3A_268 : memref<80xi32, #tpu.memory_space<vmem>>) target_semaphore(%arg15 : memref<!tpu.dma_semaphore, #tpu.memory_space<semaphore_mem>>)
        %add3A_271 = arith.constant 3 : i32
        %add3A_272 = arith.addi %scan3A_203, %add3A_271 : i32
        %mul3A_273 = arith.constant 80 : i32
        %mul3A_274 = arith.muli %add3A_272, %mul3A_273 : i32
        %add3A_275 = arith.addi %multiple_of3A, %mul3A_274 : i32
        %multiple_of3A_276 = tpu.assume_multiple %add3A_275, 8 : i32
        %dma_start3A_277 = arith.constant 1 : i32
        %dma_start3A_278 = arith.constant 0 : i32
        %dma_start3A_279 = tpu.memref_slice %arg10[%rem3A_253, %dma_start3A_278] : memref<6x80xi32, #tpu.memory_space<vmem>> -> memref<1x80xi32, #tpu.memory_space<vmem>>
        %dma_start3A_280 = tpu.memref_squeeze %dma_start3A_279 : memref<1x80xi32, #tpu.memory_space<vmem>> -> memref<80xi32, #tpu.memory_space<vmem>>
        %dma_start3A_281 = tpu.memref_slice %arg3[%dma_start3A_277, %multiple_of3A_276] : memref<2x320000xi32, #tpu.memory_space<hbm>> -> memref<1x80xi32, #tpu.memory_space<hbm>>
        %dma_start3A_282 = tpu.memref_squeeze %dma_start3A_281 : memref<1x80xi32, #tpu.memory_space<hbm>> -> memref<80xi32, #tpu.memory_space<hbm>>
        %dma_start3A_283 = arith.constant 0 : i32
        %dma_start3A_284 = tpu.memref_slice %arg10[%rem3A_253, %dma_start3A_283] : memref<6x80xi32, #tpu.memory_space<vmem>> -> memref<1x80xi32, #tpu.memory_space<vmem>>
        %dma_start3A_285 = tpu.memref_squeeze %dma_start3A_284 : memref<1x80xi32, #tpu.memory_space<vmem>> -> memref<80xi32, #tpu.memory_space<vmem>>
        %dma_start3A_286 = tpu.memref_slice %arg3[%dma_start3A_277, %multiple_of3A_276] : memref<2x320000xi32, #tpu.memory_space<hbm>> -> memref<1x80xi32, #tpu.memory_space<hbm>>
        %dma_start3A_287 = tpu.memref_squeeze %dma_start3A_286 : memref<1x80xi32, #tpu.memory_space<hbm>> -> memref<80xi32, #tpu.memory_space<hbm>>
        tpu.enqueue_dma source(%dma_start3A_287 : memref<80xi32, #tpu.memory_space<hbm>>) target(%dma_start3A_285 : memref<80xi32, #tpu.memory_space<vmem>>) target_semaphore(%arg15 : memref<!tpu.dma_semaphore, #tpu.memory_space<semaphore_mem>>)
      } else {
      }
      %rem3A_221 = arith.constant 6 : i32
      %rem3A_222 = arith.remsi %scan3A_203, %rem3A_221 : i32
      %dma_wait3A_223 = arith.constant 0 : i32
      %dma_wait3A_224 = arith.constant 0 : i32
      %dma_wait3A_225 = tpu.memref_slice %arg11[%rem3A_205, %dma_wait3A_223, %dma_wait3A_224] : memref<3x80x128xf32, #tpu.memory_space<vmem>> -> memref<1x80x128xf32, #tpu.memory_space<vmem>>
      %dma_wait3A_226 = tpu.memref_squeeze %dma_wait3A_225 : memref<1x80x128xf32, #tpu.memory_space<vmem>> -> memref<80x128xf32, #tpu.memory_space<vmem>>
      %dma_wait3A_227 = arith.constant 0 : i32
      %dma_wait3A_228 = tpu.memref_slice %arg10[%rem3A_222, %dma_wait3A_227] : memref<6x80xi32, #tpu.memory_space<vmem>> -> memref<1x80xi32, #tpu.memory_space<vmem>>
      %dma_wait3A_229 = tpu.memref_squeeze %dma_wait3A_228 : memref<1x80xi32, #tpu.memory_space<vmem>> -> memref<80xi32, #tpu.memory_space<vmem>>
      %dma_wait3A_230 = arith.constant 0 : i32
      %dma_wait3A_231 = arith.constant 0 : i32
      %dma_wait3A_232 = tpu.memref_slice %arg2[%dma_wait3A_230, %dma_wait3A_231] : memref<10000x128xf32, #tpu.memory_space<hbm>> -> memref<10000x128xf32, #tpu.memory_space<hbm>>
      tpu.wait_indirect_dma semaphore(%arg16 : memref<!tpu.dma_semaphore, #tpu.memory_space<semaphore_mem>>) src(%dma_wait3A_232 : memref<10000x128xf32, #tpu.memory_space<hbm>>) dst(%dma_wait3A_226 : memref<80x128xf32, #tpu.memory_space<vmem>>)
      %dma_start3A_233 = arith.constant 0 : i32
      %dma_start3A_234 = arith.constant 0 : i32
      %dma_start3A_235 = tpu.memref_slice %arg11[%rem3A_205, %dma_start3A_233, %dma_start3A_234] : memref<3x80x128xf32, #tpu.memory_space<vmem>> -> memref<1x80x128xf32, #tpu.memory_space<vmem>>
      %dma_start3A_236 = tpu.memref_squeeze %dma_start3A_235 : memref<1x80x128xf32, #tpu.memory_space<vmem>> -> memref<80x128xf32, #tpu.memory_space<vmem>>
      %dma_start3A_237 = arith.constant 0 : i32
      %dma_start3A_238 = tpu.memref_slice %arg9[%rem3A_222, %dma_start3A_237] : memref<6x80xi32, #tpu.memory_space<vmem>> -> memref<1x80xi32, #tpu.memory_space<vmem>>
      %dma_start3A_239 = tpu.memref_squeeze %dma_start3A_238 : memref<1x80xi32, #tpu.memory_space<vmem>> -> memref<80xi32, #tpu.memory_space<vmem>>
      %dma_start3A_240 = arith.constant 0 : i32
      %dma_start3A_241 = arith.constant 0 : i32
      %dma_start3A_242 = tpu.memref_slice %arg13[%dma_start3A_240, %dma_start3A_241] : memref<10112x128xf32, #tpu.memory_space<vmem_shared>> -> memref<10112x128xf32, #tpu.memory_space<vmem_shared>>
      tpu.enqueue_indirect_dma source(%dma_start3A_236 : memref<80x128xf32, #tpu.memory_space<vmem>>) target(%dma_start3A_242 : memref<10112x128xf32, #tpu.memory_space<vmem_shared>>) offsets(%dma_start3A_239 : memref<80xi32, #tpu.memory_space<vmem>>) semaphore(%arg17 : memref<!tpu.dma_semaphore, #tpu.memory_space<semaphore_mem>>) {add = true}
      %dma_start3A_243 = arith.constant 0 : i32
      %dma_start3A_244 = tpu.memref_slice %arg9[%rem3A_222, %dma_start3A_243] : memref<6x80xi32, #tpu.memory_space<vmem>> -> memref<1x80xi32, #tpu.memory_space<vmem>>
      %dma_start3A_245 = tpu.memref_squeeze %dma_start3A_244 : memref<1x80xi32, #tpu.memory_space<vmem>> -> memref<80xi32, #tpu.memory_space<vmem>>
      %dma_start3A_246 = arith.constant 0 : i32
      %dma_start3A_247 = arith.constant 0 : i32
      %dma_start3A_248 = tpu.memref_slice %arg14[%dma_start3A_246, %dma_start3A_247] : memref<10112x16xf32, #tpu.memory_space<vmem_shared>> -> memref<10112x16xf32, #tpu.memory_space<vmem_shared>>
      tpu.enqueue_indirect_dma source(%arg12 : memref<80x16xf32, #tpu.memory_space<vmem>>) target(%dma_start3A_248 : memref<10112x16xf32, #tpu.memory_space<vmem_shared>>) offsets(%dma_start3A_245 : memref<80xi32, #tpu.memory_space<vmem>>) semaphore(%arg18 : memref<!tpu.dma_semaphore, #tpu.memory_space<semaphore_mem>>) {add = true}
      %scan3A_249 = arith.constant 0 : i32
      scf.yield %scan3A_249 : i32
    }
    %scan3A_182 = arith.constant 125 : i32
    %dma_wait3A_183 = arith.constant 1 : i32
    %dma_wait3A_184 = arith.constant 4 : i32
    %dma_wait3A_185 = arith.constant 0 : i32
    %dma_wait3A_186 = arith.constant 0 : i32
    %dma_wait3A_187 = tpu.memref_slice %arg11[%dma_wait3A_183, %dma_wait3A_185, %dma_wait3A_186] : memref<3x80x128xf32, #tpu.memory_space<vmem>> -> memref<1x80x128xf32, #tpu.memory_space<vmem>>
    %dma_wait3A_188 = tpu.memref_squeeze %dma_wait3A_187 : memref<1x80x128xf32, #tpu.memory_space<vmem>> -> memref<80x128xf32, #tpu.memory_space<vmem>>
    %dma_wait3A_189 = arith.constant 0 : i32
    %dma_wait3A_190 = tpu.memref_slice %arg9[%dma_wait3A_184, %dma_wait3A_189] : memref<6x80xi32, #tpu.memory_space<vmem>> -> memref<1x80xi32, #tpu.memory_space<vmem>>
    %dma_wait3A_191 = tpu.memref_squeeze %dma_wait3A_190 : memref<1x80xi32, #tpu.memory_space<vmem>> -> memref<80xi32, #tpu.memory_space<vmem>>
    %dma_wait3A_192 = arith.constant 0 : i32
    %dma_wait3A_193 = arith.constant 0 : i32
    %dma_wait3A_194 = tpu.memref_slice %arg13[%dma_wait3A_192, %dma_wait3A_193] : memref<10112x128xf32, #tpu.memory_space<vmem_shared>> -> memref<10112x128xf32, #tpu.memory_space<vmem_shared>>
    tpu.wait_indirect_dma semaphore(%arg17 : memref<!tpu.dma_semaphore, #tpu.memory_space<semaphore_mem>>) src(%dma_wait3A_188 : memref<80x128xf32, #tpu.memory_space<vmem>>) dst(%dma_wait3A_194 : memref<10112x128xf32, #tpu.memory_space<vmem_shared>>)
    %dma_wait3A_195 = arith.constant 4 : i32
    %dma_wait3A_196 = arith.constant 0 : i32
    %dma_wait3A_197 = tpu.memref_slice %arg9[%dma_wait3A_195, %dma_wait3A_196] : memref<6x80xi32, #tpu.memory_space<vmem>> -> memref<1x80xi32, #tpu.memory_space<vmem>>
    %dma_wait3A_198 = tpu.memref_squeeze %dma_wait3A_197 : memref<1x80xi32, #tpu.memory_space<vmem>> -> memref<80xi32, #tpu.memory_space<vmem>>
    %dma_wait3A_199 = arith.constant 0 : i32
    %dma_wait3A_200 = arith.constant 0 : i32
    %dma_wait3A_201 = tpu.memref_slice %arg14[%dma_wait3A_199, %dma_wait3A_200] : memref<10112x16xf32, #tpu.memory_space<vmem_shared>> -> memref<10112x16xf32, #tpu.memory_space<vmem_shared>>
    tpu.wait_indirect_dma semaphore(%arg18 : memref<!tpu.dma_semaphore, #tpu.memory_space<semaphore_mem>>) src(%arg12 : memref<80x16xf32, #tpu.memory_space<vmem>>) dst(%dma_wait3A_201 : memref<10112x16xf32, #tpu.memory_space<vmem_shared>>)
    %barrier3A_202 = arith.constant 0 : index
    tpu.barrier barrier_id(%barrier3A_202)
    "tpu.region"() ({
      %run_scoped3A = tpu.sem_alloc : memref<!tpu.dma_semaphore, #tpu.memory_space<semaphore_mem>>
      %dma_start3A_203 = arith.constant 0 : i32
      %dma_start3A_204 = tpu.memref_slice %arg7[%arg0, %mul3A_4, %dma_start3A_203] : memref<2x10112x128xf32, #tpu.memory_space<hbm>> -> memref<1x632x128xf32, #tpu.memory_space<hbm>>
      %dma_start3A_205 = tpu.memref_squeeze %dma_start3A_204 : memref<1x632x128xf32, #tpu.memory_space<hbm>> -> memref<632x128xf32, #tpu.memory_space<hbm>>
      %dma_start3A_206 = arith.constant 0 : i32
      %dma_start3A_207 = tpu.memref_slice %arg13[%mul3A_4, %dma_start3A_206] : memref<10112x128xf32, #tpu.memory_space<vmem_shared>> -> memref<632x128xf32, #tpu.memory_space<vmem_shared>>
      tpu.enqueue_dma source(%dma_start3A_207 : memref<632x128xf32, #tpu.memory_space<vmem_shared>>) target(%dma_start3A_205 : memref<632x128xf32, #tpu.memory_space<hbm>>) target_semaphore(%run_scoped3A : memref<!tpu.dma_semaphore, #tpu.memory_space<semaphore_mem>>)
      %dma_wait3A_208 = arith.constant 0 : i32
      %dma_wait3A_209 = tpu.memref_slice %arg7[%arg0, %mul3A_4, %dma_wait3A_208] : memref<2x10112x128xf32, #tpu.memory_space<hbm>> -> memref<1x632x128xf32, #tpu.memory_space<hbm>>
      %dma_wait3A_210 = tpu.memref_squeeze %dma_wait3A_209 : memref<1x632x128xf32, #tpu.memory_space<hbm>> -> memref<632x128xf32, #tpu.memory_space<hbm>>
      %dma_wait3A_211 = arith.constant 0 : i32
      %dma_wait3A_212 = tpu.memref_slice %arg13[%mul3A_4, %dma_wait3A_211] : memref<10112x128xf32, #tpu.memory_space<vmem_shared>> -> memref<632x128xf32, #tpu.memory_space<vmem_shared>>
      tpu.wait_dma2 semaphore(%run_scoped3A : memref<!tpu.dma_semaphore, #tpu.memory_space<semaphore_mem>>) src(%dma_wait3A_212 : memref<632x128xf32, #tpu.memory_space<vmem_shared>>) dst(%dma_wait3A_210 : memref<632x128xf32, #tpu.memory_space<hbm>>)
      tpu.yield
    }) : () -> ()
    "tpu.region"() ({
      %run_scoped3A = tpu.sem_alloc : memref<!tpu.dma_semaphore, #tpu.memory_space<semaphore_mem>>
      %dma_start3A_203 = arith.constant 0 : i32
      %dma_start3A_204 = tpu.memref_slice %arg8[%arg0, %mul3A_4, %dma_start3A_203] : memref<2x10112x16xf32, #tpu.memory_space<hbm>> -> memref<1x632x16xf32, #tpu.memory_space<hbm>>
      %dma_start3A_205 = tpu.memref_squeeze %dma_start3A_204 : memref<1x632x16xf32, #tpu.memory_space<hbm>> -> memref<632x16xf32, #tpu.memory_space<hbm>>
      %dma_start3A_206 = arith.constant 0 : i32
      %dma_start3A_207 = tpu.memref_slice %arg14[%mul3A_4, %dma_start3A_206] : memref<10112x16xf32, #tpu.memory_space<vmem_shared>> -> memref<632x16xf32, #tpu.memory_space<vmem_shared>>
      tpu.enqueue_dma source(%dma_start3A_207 : memref<632x16xf32, #tpu.memory_space<vmem_shared>>) target(%dma_start3A_205 : memref<632x16xf32, #tpu.memory_space<hbm>>) target_semaphore(%run_scoped3A : memref<!tpu.dma_semaphore, #tpu.memory_space<semaphore_mem>>)
      %dma_wait3A_208 = arith.constant 0 : i32
      %dma_wait3A_209 = tpu.memref_slice %arg8[%arg0, %mul3A_4, %dma_wait3A_208] : memref<2x10112x16xf32, #tpu.memory_space<hbm>> -> memref<1x632x16xf32, #tpu.memory_space<hbm>>
      %dma_wait3A_210 = tpu.memref_squeeze %dma_wait3A_209 : memref<1x632x16xf32, #tpu.memory_space<hbm>> -> memref<632x16xf32, #tpu.memory_space<hbm>>
      %dma_wait3A_211 = arith.constant 0 : i32
      %dma_wait3A_212 = tpu.memref_slice %arg14[%mul3A_4, %dma_wait3A_211] : memref<10112x16xf32, #tpu.memory_space<vmem_shared>> -> memref<632x16xf32, #tpu.memory_space<vmem_shared>>
      tpu.wait_dma2 semaphore(%run_scoped3A : memref<!tpu.dma_semaphore, #tpu.memory_space<semaphore_mem>>) src(%dma_wait3A_212 : memref<632x16xf32, #tpu.memory_space<vmem_shared>>) dst(%dma_wait3A_210 : memref<632x16xf32, #tpu.memory_space<hbm>>)
      tpu.yield
    }) : () -> ()
    return
  }
}

module attributes {stable_mosaic.version = 14 : i64} {
  func.func @body(%arg0: i32, %arg1: memref<1x1000x128xf32, #tpu.memory_space<vmem>>, %arg2: memref<1x1000x128xf32, #tpu.memory_space<vmem>>, %arg3: memref<1x1000x16xf32, #tpu.memory_space<vmem>>, %arg4: memref<1x1000x16xf32, #tpu.memory_space<vmem>>, %arg5: memref<128x128xf32, #tpu.memory_space<vmem>>, %arg6: memref<1x128xf32, #tpu.memory_space<vmem>>, %arg7: memref<1000x128xf32, #tpu.memory_space<vmem>>) attributes {dimension_semantics = [#tpu.dimension_semantics<arbitrary>], iteration_bounds = array<i64: 10>, scalar_prefetch = 0 : i64, scratch_operands = 0 : i64, tpu.core_type = #tpu.core_type<tc>, window_params = [{transform_indices = @transform_0, window_bounds = array<i64: 1, 1000, 128>}, {transform_indices = @transform_1, window_bounds = array<i64: 1, 1000, 128>}, {transform_indices = @transform_2, window_bounds = array<i64: 1, 1000, 16>}, {transform_indices = @transform_3, window_bounds = array<i64: 1, 1000, 16>}, {pipeline_mode = #tpu.pipeline_mode<synchronous>, transform_indices = @transform_4, window_bounds = array<i64: 128, 128>}, {pipeline_mode = #tpu.pipeline_mode<synchronous>, transform_indices = @transform_5, window_bounds = array<i64: 1, 128>}, {transform_indices = @transform_6, window_bounds = array<i64: 1000, 128>}]} {
    %get3A = arith.constant 0 : index
    %get3A_0 = arith.constant 0 : index
    %get3A_1 = arith.constant 0 : index
    %get3A_2 = vector.load %arg1[%get3A, %get3A_0, %get3A_1] : memref<1x1000x128xf32, #tpu.memory_space<vmem>>, vector<1x1000x128xf32>
    %get3A_3 = vector.shape_cast %get3A_2 : vector<1x1000x128xf32> to vector<1000x128xf32>
    %get3A_4 = arith.constant 0 : index
    %get3A_5 = arith.constant 0 : index
    %get3A_6 = arith.constant 0 : index
    %get3A_7 = vector.load %arg2[%get3A_4, %get3A_5, %get3A_6] : memref<1x1000x128xf32, #tpu.memory_space<vmem>>, vector<1x1000x128xf32>
    %get3A_8 = vector.shape_cast %get3A_7 : vector<1x1000x128xf32> to vector<1000x128xf32>
    %add3A = arith.addf %get3A_3, %get3A_8 : vector<1000x128xf32>
    %get3A_9 = arith.constant 0 : index
    %get3A_10 = arith.constant 0 : index
    %get3A_11 = arith.constant 0 : index
    %get3A_12 = vector.load %arg3[%get3A_9, %get3A_10, %get3A_11] : memref<1x1000x16xf32, #tpu.memory_space<vmem>>, vector<1x1000x1xf32>
    %get3A_13 = vector.shape_cast %get3A_12 : vector<1x1000x1xf32> to vector<1000x1xf32>
    %get3A_14 = arith.constant 0 : index
    %get3A_15 = arith.constant 0 : index
    %get3A_16 = arith.constant 0 : index
    %get3A_17 = vector.load %arg4[%get3A_14, %get3A_15, %get3A_16] : memref<1x1000x16xf32, #tpu.memory_space<vmem>>, vector<1x1000x1xf32>
    %get3A_18 = vector.shape_cast %get3A_17 : vector<1x1000x1xf32> to vector<1000x1xf32>
    %add3A_19 = arith.addf %get3A_13, %get3A_18 : vector<1000x1xf32>
    %div3A = vector.broadcast %add3A_19 : vector<1000x1xf32> to vector<1000x128xf32>
    %div3A_20 = arith.divf %add3A, %div3A : vector<1000x128xf32>
    %get3A_21 = arith.constant 0 : index
    %get3A_22 = arith.constant 0 : index
    %get3A_23 = vector.load %arg5[%get3A_21, %get3A_22] : memref<128x128xf32, #tpu.memory_space<vmem>>, vector<128x128xf32>
    %dot_general3A = arith.constant dense<0.000000e+00> : vector<1000x128xf32>
    %dot_general3A_24 = tpu.matmul %div3A_20, %get3A_23, %dot_general3A {dimension_numbers = #tpu.dot_dimension_numbers<[1], [0], [0], [1], [0, 0, 1, 1], [], []>, transpose_lhs_hint = false} : vector<1000x128xf32>, vector<128x128xf32>, vector<1000x128xf32> -> vector<1000x128xf32>
    %get3A_25 = arith.constant 0 : index
    %get3A_26 = arith.constant 0 : index
    %get3A_27 = vector.load %arg6[%get3A_25, %get3A_26] : memref<1x128xf32, #tpu.memory_space<vmem>>, vector<1x128xf32>
    %add3A_28 = vector.broadcast %get3A_27 : vector<1x128xf32> to vector<1000x128xf32>
    %add3A_29 = arith.addf %dot_general3A_24, %add3A_28 : vector<1000x128xf32>
    %swap3A = arith.constant 0 : index
    %swap3A_30 = arith.constant 0 : index
    %swap3A_31 = vector.load %arg7[%swap3A, %swap3A_30] : memref<1000x128xf32, #tpu.memory_space<vmem>>, vector<1000x128xf32>
    tpu.vector_store %arg7[%swap3A, %swap3A_30], %add3A_29 {strides = array<i32>} : memref<1000x128xf32, #tpu.memory_space<vmem>>, vector<1000x128xf32>,
    return
  }
  func.func @transform_0(%arg0: i32) -> (i32, i32, i32) {
    %c0_i32 = arith.constant 0 : i32
    %c0_i32_0 = arith.constant 0 : i32
    %c0_i32_1 = arith.constant 0 : i32
    return %c0_i32, %arg0, %c0_i32_0 : i32, i32, i32
  }
  func.func @transform_1(%arg0: i32) -> (i32, i32, i32) {
    %c1_i32 = arith.constant 1 : i32
    %c0_i32 = arith.constant 0 : i32
    %c0_i32_0 = arith.constant 0 : i32
    return %c1_i32, %arg0, %c0_i32 : i32, i32, i32
  }
  func.func @transform_2(%arg0: i32) -> (i32, i32, i32) {
    %c0_i32 = arith.constant 0 : i32
    %c0_i32_0 = arith.constant 0 : i32
    %c0_i32_1 = arith.constant 0 : i32
    return %c0_i32, %arg0, %c0_i32_0 : i32, i32, i32
  }
  func.func @transform_3(%arg0: i32) -> (i32, i32, i32) {
    %c1_i32 = arith.constant 1 : i32
    %c0_i32 = arith.constant 0 : i32
    %c0_i32_0 = arith.constant 0 : i32
    return %c1_i32, %arg0, %c0_i32 : i32, i32, i32
  }
  func.func @transform_4(%arg0: i32) -> (i32, i32) {
    %c0_i32 = arith.constant 0 : i32
    %c0_i32_0 = arith.constant 0 : i32
    %c0_i32_1 = arith.constant 0 : i32
    return %c0_i32, %c0_i32_0 : i32, i32
  }
  func.func @transform_5(%arg0: i32) -> (i32, i32) {
    %c0_i32 = arith.constant 0 : i32
    %c0_i32_0 = arith.constant 0 : i32
    %c0_i32_1 = arith.constant 0 : i32
    return %c0_i32, %c0_i32_0 : i32, i32
  }
  func.func @transform_6(%arg0: i32) -> (i32, i32) {
    %c0_i32 = arith.constant 0 : i32
    %c0_i32_0 = arith.constant 0 : i32
    return %arg0, %c0_i32 : i32, i32
  }
}

</mosaic_0001>

<sc_bundles>
// kernel: kernel.4.cloned.1.call-start
scs
__scs_entry_jumppad:
0x0: {  	(pc) =	sbr.rel $0x88, $3  }
0x1: {  	(tag) =	ssettag $0x0;
	lr =	simm.s32 $0x1  }
0x2: {  	[smem:$0x3F9D] =	sst lr;
	_ =	strace $0xD0000000  }
0x3: {  	_ = 	snop  }
0x4: {  	_ = 	snop  }
0x5: {  	_ = 	snop  }
0x6: {  	_ = 	snop  }
0x7: {  	_ = 	snop  }
__scs_overlays_trampoline_lowered:
0x8: {  	[smem:$0x3FAC] =	sst s0  }
0x9: {  	[smem:$0x3FAD] =	sst s1  }
0xa: {  	[smem:$0x3FAE] =	sst s2  }
0xb: {  	[smem:$0x3FAF] =	sst s3  }
0xc: {  	[smem:$0x3FB0] =	sst s4  }
0xd: {  	[smem:$0x3FB1] =	sst s5  }
0xe: {  	[smem:$0x3FB2] =	sst s6  }
0xf: {  	[smem:$0x3FB3] =	sst s7  }
0x10: {  	[smem:$0x3FB4] =	sst s8  }
0x11: {  	[smem:$0x3FB5] =	sst s9;
	s0 =	simm.s32 @!p0 $0x0  }
0x12: {  	s1 =	sld [smem:$0x3F9B];
	s0 =	simm.s32 @p0 $0x1  }
0x13: {  	[smem:$0x3FB6] =	sst s0;
	s0 =	simm.s32 @!p1 $0x0  }
0x14: {  	s2 =	sld [smem:$0x3F9A];
	s0 =	simm.s32 @p1 $0x1  }
0x15: {  	[smem:$0x3FB7] =	sst s0;
	s0 =	simm.s32 @!p2 $0x0  }
0x16: {  	s3 =	sld [smem:$0x3FDB];
	s0 =	simm.s32 @p2 $0x1  }
0x17: {  	s4 =	simm.s32 $0x1BF5;
	[smem:$0x3FB9] =	sst s0  }
0x18: {  	s0 =	sld [smem:$0x3F9C];
	_ =	swait.ge [sflag:s4], $0x0  }
0x19: {  	s7 =	sld [smem:$0x3F9D]  }
0x1a: {  	s8 =	sadd.s32 $0xFFFFE003, lr  }
0x1b: {  	s9 =	sadd.s32 $0xFFFFFEF7, lr;
	s5 =	simm.s32 $0xFFFFFFFF;
	p2 =	slt.u32 s8, $0xFFFFF086  }
0x1c: {  	p1 =	slt.u32 s9, $0xF7A;
	s5 =	simm.s32 @!p2 $0x0  }
0x1d: {  	s5 =	simm.s32 @p1 $0x1;
	p0 =	seq.s32 s7, s2  }
0x1e: {  	s7 =	smul.u32 @!p0 $0xF7A, s2;
	p2 =	seq.s32 @!p0 s5, $0x0  }
0x1f: {  	s9 =	smul.u32 $0xF7A, s1;
	s8 =	simm.s32 @!p0 $0x1BF5;
	p2 =	por !p2, p0  }
0x20: {  	[sflag:s8] =	ssyncset.s32 @!p0 $0xFFFFF086;
	s6 =	sadd.s32 @!p0 s3, s7;
	s7 =	simm.s32 @!p0 $0x108  }
0x21: {  	s3 =	sadd.s32 s3, s9;
	s6 =	sadd.s32 @!p0 $0x88, s6;
	s7 =	simm.s32 @p2 $0x1082  }
0x22: {  	[simem:s7], [sflag:s8] =	dma.local @!p0 [hbm:s6], $0xF7A  }
0x23: {  	s9 =	sor.u32 $0xD0000000, s2;
	s6 =	simm.s32 $0x108;
	_ =	swait.ge @!p0 [sflag:s8], $0x0  }
0x24: {  	s3 =	sadd.s32 $0x88, s3;
	s6 =	simm.s32 @!p1 $0x1082;
	[sflag:s4] =	ssyncset.s32 $0xFFFFF086  }
0x25: {  	[simem:s6], [sflag:s4] =	dma.local [hbm:s3], $0xF7A  }
0x26: {  	[smem:$0x3F9D] =	sst s1;
	(tag) =	ssettag s2;
	_ =	strace s9  }
0x27: {  	s1 =	sld [smem:$0x3FAD]  }
0x28: {  	s2 =	sld [smem:$0x3FAE]  }
0x29: {  	s4 =	sld [smem:$0x3FB0]  }
0x2a: {  	p0 =	seq.s32 s5, $0x0;
	s5 =	sld [smem:$0x3FB1]  }
0x2b: {  	s6 =	sld [smem:$0x3FB2]  }
0x2c: {  	s7 =	sld [smem:$0x3FB3]  }
0x2d: {  	s3 =	simm.s32 $0x108;
	s8 =	sld [smem:$0x3FB4]  }
0x2e: {  	s3 =	simm.s32 @!p0 $0x1082;
	s9 =	sld [smem:$0x3FB5]  }
0x2f: {  	lr =	sadd.s32 s0, s3;
	s0 =	sld [smem:$0x3FAC]  }
0x30: {  	s3 =	sld [smem:$0x3FAF]  }
0x31: {  	[smem:$0x3FB8] =	sst s10  }
0x32: {  	s10 =	sld [smem:$0x3FB6];
	_ =	sdelay $0x3  }
0x33: {  	p0 =	seq.s32 s10, $0x1;
	s10 =	sld [smem:$0x3FB8];
	_ =	sdelay $0x3  }
0x34: {  	[smem:$0x3FB8] =	sst s10  }
0x35: {  	s10 =	sld [smem:$0x3FB7];
	_ =	sdelay $0x3  }
0x36: {  	p1 =	seq.s32 s10, $0x1;
	s10 =	sld [smem:$0x3FB8];
	_ =	sdelay $0x3  }
0x37: {  	[smem:$0x3FB8] =	sst s10  }
0x38: {  	s10 =	sld [smem:$0x3FB9]  }
0x39: {  	_ = 	snop;
	(pc) =	sbr.ind lr, $3  }
0x3a: {  	_ = 	snop  }
0x3b: {  	_ = 	snop  }
0x3c: {  	p2 =	seq.s32 s10, $0x1;
	s10 =	sld [smem:$0x3FB8]  }
0x3d: {  	_ =	shalt  }
0x3e: {  	_ =	shalt  }
0x3f: {  	_ =	shalt  }
0x40: {  	_ =	shalt  }
0x41: {  	_ =	shalt  }
0x42: {  	_ =	shalt  }
0x43: {  	_ =	shalt  }
0x44: {  	_ =	shalt  }
0x45: {  	_ =	shalt  }
0x46: {  	_ =	shalt  }
0x47: {  	_ =	shalt  }
0x48: {  	_ =	shalt  }
0x49: {  	_ =	shalt  }
0x4a: {  	_ =	shalt  }
0x4b: {  	_ =	shalt  }
0x4c: {  	_ =	shalt  }
0x4d: {  	_ =	shalt  }
0x4e: {  	_ =	shalt  }
0x4f: {  	_ =	shalt  }
0x50: {  	_ =	shalt  }
0x51: {  	_ =	shalt  }
0x52: {  	_ =	shalt  }
0x53: {  	_ =	shalt  }
0x54: {  	_ =	shalt  }
0x55: {  	_ =	shalt  }
0x56: {  	_ =	shalt  }
0x57: {  	_ =	shalt  }
0x58: {  	_ =	shalt  }
0x59: {  	_ =	shalt  }
0x5a: {  	_ =	shalt  }
0x5b: {  	_ =	shalt  }
0x5c: {  	_ =	shalt  }
0x5d: {  	_ =	shalt  }
0x5e: {  	_ =	shalt  }
0x5f: {  	_ =	shalt  }
0x60: {  	_ =	shalt  }
0x61: {  	_ =	shalt  }
0x62: {  	_ =	shalt  }
0x63: {  	_ =	shalt  }
0x64: {  	_ =	shalt  }
0x65: {  	_ =	shalt  }
0x66: {  	_ =	shalt  }
0x67: {  	_ =	shalt  }
0x68: {  	_ =	shalt  }
0x69: {  	_ =	shalt  }
0x6a: {  	_ =	shalt  }
0x6b: {  	_ =	shalt  }
0x6c: {  	_ =	shalt  }
0x6d: {  	_ =	shalt  }
0x6e: {  	_ =	shalt  }
0x6f: {  	_ =	shalt  }
0x70: {  	_ =	shalt  }
0x71: {  	_ =	shalt  }
0x72: {  	_ =	shalt  }
0x73: {  	_ =	shalt  }
0x74: {  	_ =	shalt  }
0x75: {  	_ =	shalt  }
0x76: {  	_ =	shalt  }
0x77: {  	_ =	shalt  }
0x78: {  	_ =	shalt  }
0x79: {  	_ =	shalt  }
0x7a: {  	_ =	shalt  }
0x7b: {  	_ =	shalt  }
0x7c: {  	_ =	shalt  }
0x7d: {  	_ =	shalt  }
0x7e: {  	_ =	shalt  }
0x7f: {  	_ =	shalt  }
0x80: {  	_ =	shalt  }
0x81: {  	_ =	shalt  }
0x82: {  	_ =	shalt  }
0x83: {  	_ =	shalt  }
0x84: {  	_ =	shalt  }
0x85: {  	_ =	shalt  }
0x86: {  	_ =	shalt  }
0x87: {  	_ =	shalt  }
.Lfunc_end0:
.L_simem_size_0:
called_computation_lowered:
.L_overlay_start_0:
0x88: {  	s2 =	sld [smem:$0x3FD9]  }
0x89: {  	s3 =	sld [smem:$0x3FFE];
	_ =	sdelay $0x1  }
0x8a: {  	s1 =	srdreg.scid  }
0x8b: {  	s0 =	sand.u32 $0x1, s1  }
0x8c: {  	s17 =	sshll.u32 s0, $0xA;
	s2 =	sadd.s32 s3, s2  }
0x8d: {  	s2 =	sadd.s32 s2, s17  }
0x8e: {  	[smem:$0x3FC4] =	sst s2  }
0x8f: {  	_ = 	snop  }
0x90: {  	s2 =	sld [smem:$0x3FC9]  }
0x91: {  	s18 =	sld [smem:$0x3FD0];
	(tm) =	ssettm $0x1  }
0x92: {  	s4 =	sld [smem:$0x3FFB];
	_ =	sdelay $0x3  }
0x93: {  	_ =	strace s4  }
0x94: {  	s4 =	sld [smem:$0x3FFC];
	_ =	sdelay $0x3  }
0x95: {  	_ =	strace s4  }
0x96: {  	s4 =	sld [smem:$0x3FFD];
	_ =	sdelay $0x3  }
0x97: {  	_ =	strace s4  }
0x98: {  	_ =	strace $0x8FFFFFFF  }
0x99: {  	s19 =	sld [smem:$0x3FDB];
	_ =	sdelay $0x1  }
0x9a: {  	s5 =	simm.s32 $_scs_section_size  }
0x9b: {  	s6 =	simm.s32 $_size__tile_overlayer_lowered;
	s7 =	simm.s32 $_tile_overlayer_lowered  }
0x9c: {  	s22 =	simm.s32 $0x1BFF;
	s21 =	sshll.u32 s7, $0x1;
	s4 =	sadd.s32 s5, s19  }
0x9d: {  	s8 =	simm.s32 $0x0;
	s20 =	sshll.u32 s6, $0x1;
	s6 =	sadd.s32 s21, s4  }
0x9e: {  	[timem:s8], [sflag:s22] =	dma.local [hbm:s6], s20  }
0x9f: {  	_ =	swait.ge [sflag:s22], s20  }
0xa0: {  	s5 =	ssub.s32 $0x0, s20;
	[sflag:s22] =	ssyncset.done $0x0  }
0xa1: {  	[sflag:s22] =	ssyncadd.s32 s5;
	_ =	sdelay $0x1  }
0xa2: {  	s23 =	simm.s32 $0x1B8B  }
0xa3: {  	_ =	swait.ge [sflag:s23], $0x1  }
0xa4: {  	[sflag:s23] =	ssyncset.done $0x0  }
0xa5: {  	s25 =	simm.s32 $0x1B8E;
	s24 =	sld [smem:$0x3FFE];
	[sflag:s23] =	ssyncadd.s32 $0xFFFFFFFF  }
0xa6: {  	s26 =	simm.s32 $execute0_lowered;
	[smem:$0x3FD2] =	sst s25  }
0xa7: {  	s6 =	sshll.u32 s26, $0x1;
	_ =	strace $0x80000046;
	[dreg:$0x1] =	wrdreg $0xFFFFFFFF  }
0xa8: {  	s28 =	simm.s32 $_size_execute0_lowered;
	s4 =	sadd.s32 s4, s6;
	[dreg:$0x0] =	wrdreg $0x0  }
0xa9: {  	s6 =	sshll.u32 s28, $0x1;
	[dreg:$0x2] =	wrdreg s4  }
0xaa: {  	[dreg:$0x3] =	wrdreg s6  }
0xab: {  	[dreg:$0x4] =	wrdreg $0xC0  }
0xac: {  	_ =	task [dreg:s8], $0x5FFFF  }
0xad: {  	[dreg:$0x1] =	wrdreg $0xFFFFFFFF  }
0xae: {  	[dreg:$0x0] =	wrdreg $0x60  }
0xaf: {  	[dreg:$0x2] =	wrdreg s2  }
0xb0: {  	[dreg:$0x3] =	wrdreg s18  }
0xb1: {  	[dreg:$0x4] =	wrdreg s24  }
0xb2: {  	[dreg:$0x5] =	wrdreg $0x80C00  }
0xb3: {  	[dreg:$0x6] =	wrdreg $0x1BCC00  }
0xb4: {  	[dreg:$0x7] =	wrdreg $0x9  }
0xb5: {  	_ =	task.clear_ibuf [dreg:s8], $0x8FFFF;
	_ =	strace $0x90000046  }
0xb6: {  	s29 =	simm.s32 $0x9;
	_ =	strace $0x80000048  }
0xb7: {  	_ =	swait.ge [sflag:s29], $0x1  }
0xb8: {  	[sflag:s29] =	ssyncadd.s32 $0xFFFFFFFF  }
0xb9: {  	_ =	strace $0x90000048  }
0xba: {  	_ =	sfence  }
0xbb: {  	s30 =	sld [smem:$0x0];
	_ =	sdelay $0x2  }
0xbc: {  	s31 =	sshll.u32 s1, $0xD;
	s1 =	sshrl.u32 s1, $0x2  }
0xbd: {  	s3 =	sand.u32 $0x4000, s31;
	s1 =	sadd.s32 s1, s30  }
0xbe: {  	s0 =	sor.u32 s3, s0;
	s1 =	sshll.u32 s1, $0x11  }
0xbf: {  	s0 =	sor.u32 s1, s0  }
0xc0: {  	s0 =	sadd.s32 $0x8F2B, s0  }
0xc1: {  	[sflag:s0] =	ssyncadd.remote.s32 $0x1  }
0xc2: {  	_ =	sfence.sel $0xFFFF  }
0xc3: {  	[dreg:$0x0] =	wrdreg $0xFFFFFFFF;
	(pc) =	sbr.abs _section_cstart, $3  }
0xc4: {  	[dreg:$0x1] =	wrdreg $0xFFFFFFFF  }
0xc5: {  	_ =	task.clear_ibuf [dreg:s8], $0x2FFFF;
	_ =	strace $0x9FFFFFFF  }
0xc6: {  	(tm) =	ssettm $0x7FFFFFFF  }
0xc7: {  	_ =	shalt  }
tec
execute0_lowered:
.L_overlay_start_1:
0x0: {  	(tag) =	ssettag $0x1  }
0x1: {  	s1 =	rddreg [dreg:$0x0]  }
0x2: {  	s0 =	rddreg [dreg:$0x1]  }
0x3: {  	s2 =	rddreg [dreg:$0x2]  }
0x4: {  	s3 =	rddreg [dreg:$0x3]  }
0x5: {  	s4 =	rddreg [dreg:$0x4]  }
0x6: {  	s14 =	stileid.u32;
	s7 =	srdreg.scid;
	s5 =	simm.s32 $0x0  }
0x7: {  	s28 =	simm.s32 $0x230;
	s31 =	simm.s32 $0x1;
	s6 =	smul.u32 $0x13C00, s14  }
0x8: {  	s29 =	simm.s32 $0x2;
	s30 =	simm.s32 $0x3;
	s9 =	smul.u32 $0x2780, s14  }
0x9: {  	s7 =	sand.u32 $0x1, s7;
	[smem:$0x7FF] =	sst s5;
	s21 =	smul.u32 $0x2710, s14  }
0xa: {  	s13 =	sadd.s32 $0xE00, s2;
	s16 =	sshll.u32 s14, $0x6;
	s8 =	smul.u32 $0x13C000, s7  }
0xb: {  	_ =	strace $0x80000047;
	s12 =	smul.u32 $0x27800, s7;
	[dreg:$0x6] =	wrdreg s13  }
0xc: {  	s24 =	ssub.s32 $0x2, s7;
	s25 =	sshll.u32 s7, $0x4;
	s7 =	smul.u32 $0x27100, s7  }
0xd: {  	s10 =	sshrl.u32 s6, $0x3;
	s11 =	sshrl.u32 s9, $0x3;
	s26 =	sshrl.u32 s24, $0x1  }
0xe: {  	s13 =	sor.u32 s14, s25;
	s8 =	sadd.s32 s6, s8;
	s10 =	sadd.s32 s10, s2  }
0xf: {  	s11 =	sadd.s32 s11, s2;
	s23 =	sadd.s32 s9, s12;
	s19 =	ssub.s32 s24, s26  }
0x10: {  	s15 =	smul.u32 $0x2710, s13;
	s6 =	sadd.s32 s6, s3;
	s9 =	sadd.s32 s9, s4  }
0x11: {  	s7 =	sadd.s32 s21, s7;
	s8 =	sshrl.u32 s8, $0x3;
	s10 =	sadd.s32 $0x6000, s10  }
0x12: {  	[dreg:$0x8] =	wrdreg s9;
	s20 =	sadd.s32 $0x1000, s11;
	s9 =	sadd.s32 $0xF0, s7  }
0x13: {  	s7 =	sadd.s32 $0x4E2F0, s7;
	s19 =	smax.u32 s19, $0x1;
	s17 =	sadd.s32 s8, s2  }
0x14: {  	s8 =	sshrl.u32 s23, $0x3;
	[dreg:$0x7] =	wrdreg s10;
	s18 =	sshrl.u32 s15, $0x3  }
0x15: {  	[dreg:$0x9] =	wrdreg s20;
	s26 =	sshrl.u32 s9, $0x3;
	s7 =	sshrl.u32 s7, $0x3  }
0x16: {  	s2 =	sadd.s32 s8, s2;
	s8 =	sor.u32 $0x1C05, s16;
	s11 =	sadd.s32 s0, s18  }
0x17: {  	s17 =	sadd.s32 $0x37600, s17;
	s9 =	sadd.s32 s26, s0;
	s7 =	sadd.s32 s7, s0  }
0x18: {  	s26 =	simm.s32 $0x50;
	s0 =	simm.s32 $0x4;
	s22 =	sadd.s32 $0x9C40, s11  }
.Ltmp0:
0x19: {  	s23 =	sadd.s32 $0xA, s11;
	[dreg:$0xa] =	wrdreg s22;
	(pc) =	sbr.rel .LBB2_1-.Ltmp0, $4  }
0x1a: {  	s24 =	sadd.s32 $0x9C4A, s11;
	s25 =	sadd.s32 $0x14, s11;
	[dreg:$0xb] =	wrdreg s23  }
0x1b: {  	s16 =	sadd.s32 $0x9C54, s11;
	s18 =	sadd.s32 $0x2D800, s2;
	[dreg:$0xc] =	wrdreg s24  }
0x1c: {  	s2 =	simm.s32 $0x0;
	[dreg:$0xd] =	wrdreg s25;
	s22 =	sshrl.u32 s6, $0x3  }
0x1d: {  	s23 =	simm.s32 $0x5;
	s24 =	simm.s32 $0x7BC0;
	s25 =	simm.s32 $0x1E0  }
.LBB2_5:
0x1e: {  	_ =	swait.ge [sflag:s30], $0x2800  }
0x1f: {  	[sflag:s30] =	ssyncset.done $0x0  }
0x20: {  	[sflag:s30] =	ssyncadd.s32 $0xFFFFD800  }
0x21: {  	_ =	swait.ge [sflag:s0], $0x500  }
0x22: {  	[sflag:s0] =	ssyncset.done $0x0  }
0x23: {  	[sflag:s0] =	ssyncadd.s32 $0xFFFFFB00  }
0x24: {  	[bflag:$0x0] =	sbarrier.arrive $0xFFFF  }
0x25: {  	[hbm:s17], [sflag:s8] =	dma.local [spmem:s22], $0x2780  }
0x26: {  	s2 =	sadd.s32 $0x1, s2;
	_ =	swait.ge [sflag:s23], $0x2780  }
0x27: {  	p0 =	sne.s32 s2, s19;
	[sflag:s23] =	ssyncset.done $0x0  }
.Ltmp1:
0x28: {  	[sflag:s23] =	ssyncadd.s32 $0xFFFFD880;
	(pc) =	sbr.rel @!p0 .LBB2_6-.Ltmp1, $4  }
0x29: {  	[hbm:s18], [sflag:s8] =	dma.local [spmem:s6], $0x4F0  }
0x2a: {  	_ =	swait.ge [sflag:s23], $0x4F0  }
0x2b: {  	[sflag:s23] =	ssyncset.done $0x0  }
0x2c: {  	[sflag:s23] =	ssyncadd.s32 $0xFFFFFB10  }
.LBB2_1:
0x2d: {  	s6 =	rddreg [dreg:$0x7]  }
0x2e: {  	[spmem:s22], [sflag:s8] =	dma.local [hbm:s6], $0x2780  }
0x2f: {  	_ =	swait.ge [sflag:s23], $0x2780  }
0x30: {  	[sflag:s23] =	ssyncset.done $0x0;
	s15 =	rddreg [dreg:$0x8]  }
0x31: {  	s10 =	rddreg [dreg:$0x9];
	[sflag:s23] =	ssyncadd.s32 $0xFFFFD880;
	s6 =	sshrl.u32 s15, $0x3  }
0x32: {  	[spmem:s6], [sflag:s8] =	dma.local [hbm:s10], $0x4F0  }
0x33: {  	_ =	swait.ge [sflag:s23], $0x4F0  }
0x34: {  	[sflag:s23] =	ssyncset.done $0x0  }
0x35: {  	s20 =	rddreg [dreg:$0x6];
	[sflag:s23] =	ssyncadd.s32 $0xFFFFFB10  }
0x36: {  	[tilespmem:s24], [sflag:$0x5] =	stream.linear.gather [hbm4b:s20+s5], $0x500, $0x38;
	[tilespmem:$0x1E440] =	vst v63  }
0x37: {  	_ =	swait.ge [sflag:s23], $0x500  }
0x38: {  	[sflag:s23] =	ssyncset.done $0x0  }
0x39: {  	[sflag:s23] =	ssyncadd.s32 $0xFFFFFB00  }
0x3a: {  	[tilespmem:s5], [sflag:$0x1] =	stream.linear.gather [hbm4b:s11+s5], $0x50, $0x38;
	[tilespmem:$0x1E440] =	vst v63  }
0x3b: {  	s21 =	rddreg [dreg:$0xa]  }
0x3c: {  	[tilespmem:s25], [sflag:$0x1] =	stream.linear.gather [hbm4b:s21+s5], $0x50, $0x38;
	[tilespmem:$0x1E440] =	vst v63  }
0x3d: {  	s12 =	rddreg [dreg:$0xb]  }
0x3e: {  	[tilespmem:s26], [sflag:$0x1] =	stream.linear.gather [hbm4b:s12+s5], $0x50, $0x38;
	[tilespmem:$0x1E440] =	vst v63  }
0x3f: {  	s13 =	rddreg [dreg:$0xc]  }
0x40: {  	[tilespmem:s28], [sflag:$0x1] =	stream.linear.gather [hbm4b:s13+s5], $0x50, $0x38;
	[tilespmem:$0x1E440] =	vst v63  }
0x41: {  	s14 =	rddreg [dreg:$0xd];
	s12 =	simm.s32 $0xA0  }
0x42: {  	[tilespmem:s12], [sflag:$0x1] =	stream.linear.gather [hbm4b:s14+s5], $0x50, $0x38;
	[tilespmem:$0x1E440] =	vst v63  }
0x43: {  	s15 =	simm.s32 $0x280  }
0x44: {  	[tilespmem:s15], [sflag:$0x1] =	stream.linear.gather [hbm4b:s16+s5], $0x50, $0x38;
	[tilespmem:$0x1E440] =	vst v63  }
0x45: {  	[bflag:$0x0] =	sbarrier.arrive $0xFFFF  }
0x46: {  	_ =	swait.ge [sflag:s31], $0x50  }
0x47: {  	[sflag:s31] =	ssyncset.done $0x0  }
0x48: {  	[sflag:s31] =	ssyncadd.s32 $0xFFFFFFB0  }
0x49: {  	_ =	swait.ge [sflag:s31], $0x50  }
0x4a: {  	[sflag:s31] =	ssyncset.done $0x0  }
0x4b: {  	s20 =	simm.s32 $0x3C0;
	[sflag:s31] =	ssyncadd.s32 $0xFFFFFFB0  }
0x4c: {  	[tilespmem:s20], [sflag:$0x2] =	stream.indirect.gather [hbm4b:s1+s26], $0x80, s25, s26, $0xb8;
	[tilespmem:$0x1E440] =	vst v63  }
0x4d: {  	_ =	swait.ge [sflag:s31], $0x50  }
0x4e: {  	[sflag:s31] =	ssyncset.done $0x0  }
0x4f: {  	[sflag:s31] =	ssyncadd.s32 $0xFFFFFFB0  }
.Ltmp2:
0x50: {  	_ =	swait.ge [sflag:s31], $0x50;
	(pc) =	sbr.rel .LBB2_2-.Ltmp2, $4  }
0x51: {  	[sflag:s31] =	ssyncset.done $0x0  }
0x52: {  	s21 =	simm.s32 $0x2BC0;
	[sflag:s31] =	ssyncadd.s32 $0xFFFFFFB0  }
0x53: {  	[tilespmem:s21], [sflag:$0x2] =	stream.indirect.gather [hbm4b:s1+s26], $0x80, s28, s26, $0xb8;
	[tilespmem:$0x1E440] =	vst v63  }
0x54: {  	s10 =	simm.s32 $0x0;
	s20 =	smov.u32 s9;
	s21 =	smov.u32 s7  }
.LBB2_4:
0x55: {  	s12 =	smul.u32 $0xAB, s10;
	_ =	sdelay $0x1  }
0x56: {  	s13 =	sshrl.u32 s12, $0x9  }
0x57: {  	s12 =	sshrl.u32 s12, $0xA;
	s13 =	sand.u32 $0x7F, s13  }
0x58: {  	s12 =	sand.u32 $0x3F, s12;
	s13 =	smul.u32 $0x3, s13  }
0x59: {  	s12 =	smul.u32 $0x6, s12  }
0x5a: {  	s13 =	ssub.s32 s10, s13  }
0x5b: {  	s12 =	ssub.s32 s10, s12;
	s13 =	sand.u32 $0xFF, s13  }
0x5c: {  	s10 =	sadd.s32 $0x1, s10;
	s12 =	sand.u32 $0xFF, s12;
	s13 =	smul.u32 $0xA000, s13  }
0x5d: {  	_ =	swait.ge [sflag:s29], $0x2800;
	p0 =	sne.s32 s10, $0x7D;
	s12 =	smul.u32 $0x140, s12  }
.Ltmp3:
0x5e: {  	[sflag:s29] =	ssyncset.done $0x0;
	s13 =	sshrl.u32 s13, $0x2;
	(pc) =	sbr.rel @!p0 .LBB2_5-.Ltmp3, $4  }
0x5f: {  	[sflag:s29] =	ssyncadd.s32 $0xFFFFD800;
	s12 =	sshrl.u32 s12, $0x2;
	s13 =	sor.u32 $0x3C0, s13  }
0x60: {  	[spmem:s3] =	stream.indirect.scatter.add.f32 [tilespmem:s13], [sflag:$0x3], $0x80, s12, s26, $0xb8;
	[tilespmem:$0x1E440] =	vst v63  }
0x61: {  	s20 =	sadd.s32 $0xA, s20;
	s21 =	sadd.s32 $0xA, s21  }
0x62: {  	[spmem:s4] =	stream.indirect.scatter.add.f32 [tilespmem:s24], [sflag:$0x4], $0x10, s12, s26, $0xb8;
	[tilespmem:$0x1E440] =	vst v63  }
.LBB2_2:
0x63: {  	p0 =	seq.s32 s10, $0x0  }
0x64: {  	s12 =	simm.s32 @!p0 $0x3;
	p1 =	sgt.u32 @!p0 s10, $0x7A  }
0x65: {  	_ =	swait.ge @!p0 [sflag:s12], $0x2800;
	p1 =	por p0, !p1  }
.Ltmp4:
0x66: {  	[sflag:s12] =	ssyncset.done @!p0 $0x0;
	(pc) =	sbr.rel @!p1 .LBB2_4-.Ltmp4, $4  }
0x67: {  	[sflag:s12] =	ssyncadd.s32 @!p0 $0xFFFFD800;
	s12 =	simm.s32 @!p0 $0x4  }
0x68: {  	_ =	swait.ge @!p0 [sflag:s12], $0x500  }
0x69: {  	[sflag:s12] =	ssyncset.done @!p0 $0x0  }
0x6a: {  	[sflag:s12] =	ssyncadd.s32 @!p0 $0xFFFFFB00  }
0x6b: {  	s12 =	sadd.s32 $0x2, s10  }
0x6c: {  	s13 =	sand.u32 $0xFF, s12  }
0x6d: {  	s13 =	smul.u32 $0xAB, s13;
	_ =	sdelay $0x1  }
0x6e: {  	s14 =	sshrl.u32 s13, $0xA  }
0x6f: {  	s13 =	sshrl.u32 s13, $0x9;
	s14 =	smul.u32 $0x6, s14  }
0x70: {  	_ =	swait.ge [sflag:s31], $0x50;
	s13 =	smul.u32 $0x3, s13  }
0x71: {  	p0 =	sgt.u32 s10, $0x79;
	[sflag:s31] =	ssyncset.done $0x0  }
0x72: {  	s14 =	ssub.s32 s12, s14;
	s12 =	ssub.s32 s12, s13;
	s13 =	sadd.s32 @!p0 $0x3, s10  }
0x73: {  	[sflag:s31] =	ssyncadd.s32 $0xFFFFFFB0;
	s14 =	sand.u32 $0xFF, s14;
	s15 =	smul.u32 @!p0 $0xAB, s13  }
0x74: {  	_ =	swait.ge [sflag:s31], $0x50;
	s12 =	sand.u32 $0xFF, s12;
	s14 =	smul.u32 $0x140, s14  }
0x75: {  	[sflag:s31] =	ssyncset.done $0x0;
	s12 =	smul.u32 $0xA000, s12  }
0x76: {  	[sflag:s31] =	ssyncadd.s32 $0xFFFFFFB0;
	s15 =	sshrl.u32 @!p0 s15, $0xA  }
0x77: {  	s14 =	sshrl.u32 s14, $0x2;
	s12 =	sshrl.u32 s12, $0x2;
	s15 =	sand.u32 @!p0 $0x3F, s15  }
0x78: {  	s14 =	sadd.s32 $0x1E0, s14;
	s12 =	sor.u32 $0x3C0, s12;
	s15 =	smul.u32 @!p0 $0x6, s15  }
0x79: {  	[tilespmem:s12], [sflag:$0x2] =	stream.indirect.gather [hbm4b:s1+s26], $0x80, s14, s26, $0xb8;
	[tilespmem:$0x1E440] =	vst v63  }
0x7a: {  	s12 =	ssub.s32 @!p0 s13, s15  }
0x7b: {  	s12 =	sand.u32 @!p0 $0xFF, s12  }
0x7c: {  	s12 =	smul.u32 @!p0 $0x50, s12  }
.Ltmp5:
0x7d: {  	_ = 	snop;
	(pc) =	sbr.rel .LBB2_4-.Ltmp5, $4  }
0x7e: {  	s13 =	simm.s32 @!p0 $0x0  }
0x7f: {  	[tilespmem:s12], [sflag:$0x1] =	stream.linear.gather @!p0 [hbm4b:s20+s13], $0x50, $0x38;
	[tilespmem:$0x1E440] =	vst v63  }
0x80: {  	s12 =	sadd.s32 @!p0 $0x1E0, s12  }
0x81: {  	[tilespmem:s12], [sflag:$0x1] =	stream.linear.gather @!p0 [hbm4b:s21+s13], $0x50, $0x38;
	[tilespmem:$0x1E440] =	vst v63  }
.LBB2_6:
0x82: {  	_ =	sfence.sel $0x180000  }
0x83: {  	[bflag:$0x0] =	sbarrier.arrive $0xFFFF  }
0x84: {  	_ =	strace $0x90000047  }
0x85: {  	s0 =	stileid.u32;
	[bflag:$0x2] =	sbarrier.arrive $0xFFFF  }
0x86: {  	p0 =	sne.s32 s0, $0x0;
	s0 =	rddreg [dreg:$0x5]  }
0x87: {  	s0 =	sadd.s32 @!p0 $0x100000, s0  }
0x88: {  	[sflag:s0] =	ssyncadd.tile.s32 @!p0 $0x1;
	_ =	shalt  }
.Lfunc_end2:
_tile_overlayer_lowered:
.L_overlay_start_2:
0x89: {  	(tag) =	ssettag $0x2  }
0x8a: {  	s0 =	rddreg [dreg:$0x0];
	s2 =	stileid.u32  }
0x8b: {  	s1 =	rddreg [dreg:$0x1];
	p0 =	sne.s32 s2, $0x0  }
0x8c: {  	s3 =	rddreg [dreg:$0x2];
	[bflag:$0x3] =	sbarrier.arrive $0xFFFF;
	s2 =	simm.s32 @!p0 $0x1C05  }
0x8d: {  	[timem:s3], [sflag:s2] =	dma.local @!p0 [hbm:s0], s1  }
0x8e: {  	s0 =	simm.s32 @!p0 $0x5  }
0x8f: {  	_ =	swait.ge @!p0 [sflag:s0], s1  }
0x90: {  	s1 =	ssub.s32 @!p0 $0x0, s1;
	[sflag:s0] =	ssyncset.done @!p0 $0x0  }
0x91: {  	[sflag:s0] =	ssyncadd.s32 @!p0 s1  }
0x92: {  	[bflag:$0x3] =	sbarrier.arrive $0xFFFF  }
0x93: {  	_ =	shalt  }

</sc_bundles>
